<compile_context>
chip_gen: v7x
topology: tpu7x:2x2x1
jax: 0.10.2.dev20260603
libtpu: 0.0.44.dev20260713+nightly
codegen_flags: <defaults>
</compile_context>

<pallas_src>
import functools

import jax
import jax.numpy as jnp
from jax import lax
from jax.experimental import pallas as pl
from jax.experimental.pallas import tpu as pltpu, tpu_sc as plsc

NSUB = 8
KCB = 8192
SD = 64
AUG = 128
NTOK = 8192

TN = 512
TK = 2048
HALF = 4096

CN = 128
QUARTERS = 4


def _bf16_round(v):
    u = lax.bitcast_convert_type(v, jnp.uint32)
    r = (u + jnp.uint32(0x7FFF) + ((u >> 16) & jnp.uint32(1))) & jnp.uint32(0xFFFF0000)
    return lax.bitcast_convert_type(r, jnp.float32)


def _pq_argmin_body(cb_ref, x_ref, x2_ref, out_ref):
    s = pl.program_id(0)
    x = x_ref[0]
    x2r = x2_ref[0]

    def chunk_min(kt):
        c = cb_ref[0, pl.ds(kt * TK, TK), 0:SD]
        c2col = cb_ref[0, pl.ds(kt * TK, TK), SD:SD + 1]
        xc2 = lax.dot_general(
            c, x, (((1,), (1,)), ((), ())),
            preferred_element_type=jnp.float32,
            precision=lax.Precision.DEFAULT,
        )
        d2 = c2col + xc2
        mv = jnp.min(d2, axis=0, keepdims=True)
        rows = lax.broadcasted_iota(jnp.int32, (TK, TN), 0)
        mi = jnp.min(jnp.where(d2 == mv, rows, TK), axis=0, keepdims=True)
        return mv, mi + kt * TK

    def merge(a, b):
        upd = b[0] < a[0]
        return jnp.where(upd, b[0], a[0]), jnp.where(upd, b[1], a[1])

    halves = []
    for h in range(2):
        best = chunk_min(h * (HALF // TK))
        for j in range(1, HALF // TK):
            best = merge(best, chunk_min(h * (HALF // TK) + j))
        halves.append(best)
    (b0, i0), (b1, i1) = halves

    s0 = jnp.sqrt(jnp.maximum(x2r + b0, 0.0))
    s1 = jnp.sqrt(jnp.maximum(x2r + b1, 0.0))
    take = s1 < _bf16_round(s0)
    out_ref[0] = jnp.where(take, i1, i0) + s * KCB


_pq_indices = pl.pallas_call(
    _pq_argmin_body,
    grid=(NSUB, NTOK // TN),
    in_specs=[
        pl.BlockSpec((1, KCB, AUG), lambda s, nt: (s, 0, 0)),
        pl.BlockSpec((1, TN, SD), lambda s, nt: (s, nt, 0)),
        pl.BlockSpec((1, 1, TN), lambda s, nt: (s, 0, nt)),
    ],
    out_specs=pl.BlockSpec((1, 1, TN), lambda s, nt: (s, 0, nt)),
    out_shape=jax.ShapeDtypeStruct((NSUB, 1, NTOK), jnp.int32),
)


@functools.cache
def _make_sc_gather():
    @functools.partial(
        pl.kernel,
        out_type=jax.ShapeDtypeStruct((NSUB * NTOK, AUG), jnp.float32),
        mesh=plsc.VectorSubcoreMesh(core_axis_name="c", subcore_axis_name="s"),
        scratch_types=[
            pltpu.VMEM((CN,), jnp.int32),
            pltpu.VMEM((CN, AUG), jnp.float32),
            pltpu.SemaphoreType.DMA,
        ],
    )
    def _sc_gather(table_hbm, fidx_hbm, out_hbm, idx_v, rows_v, sem):
        wid = lax.axis_index("s") * 2 + lax.axis_index("c")
        sub = wid // QUARTERS
        q = wid % QUARTERS
        tpq = NTOK // QUARTERS
        for i in range(tpq // CN):
            r0 = sub * NTOK + q * tpq + i * CN
            pltpu.sync_copy(fidx_hbm.at[pl.ds(r0, CN)], idx_v)
            pltpu.async_copy(table_hbm.at[idx_v], rows_v, sem).wait()
            pltpu.sync_copy(rows_v, out_hbm.at[pl.ds(r0, CN)])

    return _sc_gather


def _prep(embeddings, codebooks):
    b, s_len, d = embeddings.shape
    ns, k, sd = codebooks.shape
    n = b * s_len
    x = embeddings.reshape(n, ns, sd)
    xt = -2.0 * jnp.transpose(x, (1, 0, 2))
    x2 = jnp.sum(x * x, axis=-1).T.reshape(ns, 1, n)
    c2 = jnp.sum(codebooks * codebooks, axis=-1)
    cb_aug = jnp.concatenate(
        [codebooks, c2[:, :, None],
         jnp.zeros((ns, k, AUG - sd - 1), jnp.float32)], axis=2)
    return cb_aug, xt, x2


def kernel(embeddings, codebooks):
    b, s_len, d = embeddings.shape
    ns, k, sd = codebooks.shape
    n = b * s_len

    cb_aug, xt, x2 = _prep(embeddings, codebooks)
    fidx = _pq_indices(cb_aug, xt, x2)
    rows = _make_sc_gather()(cb_aug.reshape(ns * k, AUG), fidx.reshape(-1))
    quant = jnp.transpose(rows[:, :sd].reshape(ns, n, sd), (1, 0, 2))
    return quant.reshape(b, s_len, d)

# --- scband reference (transcript-rebuilt; emitter-appended) ---
"""Pipeline reference for scband-pqcodebook-model-59854664237421 (READ-ONLY COPY).

The authoritative reference and input builder live on the scoring server;
editing this copy changes nothing except your own understanding.
"""

import jax, jax.numpy as jnp
import numpy as np

NUM_SUBSPACES = 8
SUBSPACE_DIM = 64
CODEBOOK_SIZE = 8192
BATCH = 4
SEQ_LEN = 2048
EMB_DIM = NUM_SUBSPACES * SUBSPACE_DIM


def setup_inputs(seed: int = 0) -> dict:
    key = jax.random.key(seed)
    k1, k2 = jax.random.split(key)
    embeddings = jax.random.normal(k1, (BATCH, SEQ_LEN, EMB_DIM), dtype=jnp.float32)
    # learned parameters: one codebook per subspace, stacked
    codebooks = jax.random.normal(k2, (NUM_SUBSPACES, CODEBOOK_SIZE, SUBSPACE_DIM), dtype=jnp.float32)
    return {"embeddings": embeddings, "codebooks": codebooks}


def reference(embeddings, codebooks):
    b, s, d = embeddings.shape
    ns, K, sd = codebooks.shape
    flat = embeddings.reshape(-1, ns, sd)            # [N, ns, sd]
    x = jnp.transpose(flat, (1, 0, 2))               # [ns, N, sd]
    # euclidean cdist per subspace: ||x||^2 + ||c||^2 - 2 x.c
    x2 = jnp.sum(x * x, axis=-1, keepdims=True)      # [ns, N, 1]
    c2 = jnp.sum(codebooks * codebooks, axis=-1)[:, None, :]  # [ns, 1, K]
    xc = jnp.einsum('snd,skd->snk', x, codebooks)    # [ns, N, K]
    dist = jnp.sqrt(jnp.maximum(x2 + c2 - 2.0 * xc, 0.0))
    indices = jnp.argmin(dist, axis=-1)              # [ns, N] int
    # gather nearest codeword per subspace
    quant = jax.vmap(lambda cb, idx: jnp.take(cb, idx, axis=0))(codebooks, indices)  # [ns, N, sd]
    quant = jnp.transpose(quant, (1, 0, 2)).reshape(b, s, d)
    return quant

if __name__ == "__main__":
    import jax
    _d = setup_inputs()
    print(jax.jit(kernel)(*tuple(_d.values())))

</pallas_src>

<mosaic_0001>
#map = affine_map<(d0, d1) -> (0, 0)>
#map1 = affine_map<(d0, d1) -> (0)>
module attributes {stable_mosaic.version = 14 : i64} {
  func.func @_sc_gather(%arg0: i32, %arg1: i32, %arg2: memref<65536x128xf32, #tpu.memory_space<hbm>>, %arg3: memref<65536xi32, #tpu.memory_space<hbm>>, %arg4: memref<65536x128xf32, #tpu.memory_space<hbm>>, %arg5: memref<128xi32, #tpu.memory_space<vmem>>, %arg6: memref<128x128xf32, #tpu.memory_space<vmem>>, %arg7: memref<!tpu.dma_semaphore, #tpu.memory_space<semaphore_mem>>) attributes {dimension_semantics = [#tpu.dimension_semantics<core_parallel>, #tpu.dimension_semantics<subcore_parallel>], iteration_bounds = array<i64: 2, 16>, scalar_prefetch = 0 : i64, scratch_operands = 3 : i64, tpu.core_type = #tpu.core_type<sc_vector_subcore>, window_params = [{transform_indices = #map}, {transform_indices = #map1}, {transform_indices = #map}]} {
    %mul3A = arith.constant 2 : i32
    %mul3A_0 = arith.muli %arg1, %mul3A : i32
    %add3A = arith.addi %mul3A_0, %arg0 : i32
    %jit3A = arith.constant 4 : i32
    %div3A = arith.divsi %add3A, %jit3A : i32
    %sign3A = arith.constant 0 : i32
    %sign3A_1 = arith.cmpi sgt, %add3A, %sign3A : i32
    %sign3A_2 = arith.extui %sign3A_1 : i1 to i32
    %sign3A_3 = arith.constant 0 : i32
    %sign3A_4 = arith.cmpi slt, %add3A, %sign3A_3 : i32
    %sign3A_5 = arith.extui %sign3A_4 : i1 to i32
    %sign3A_6 = arith.subi %sign3A_2, %sign3A_5 : i32
    %sign3A_7 = arith.constant 0 : i32
    %sign3A_8 = arith.cmpi sgt, %jit3A, %sign3A_7 : i32
    %sign3A_9 = arith.extui %sign3A_8 : i1 to i32
    %sign3A_10 = arith.constant 0 : i32
    %sign3A_11 = arith.cmpi slt, %jit3A, %sign3A_10 : i32
    %sign3A_12 = arith.extui %sign3A_11 : i1 to i32
    %sign3A_13 = arith.subi %sign3A_9, %sign3A_12 : i32
    %ne3A = arith.cmpi ne, %sign3A_6, %sign3A_13 : i32
    %rem3A = arith.remsi %add3A, %jit3A : i32
    %ne3A_14 = arith.constant 0 : i32
    %ne3A_15 = arith.cmpi ne, %rem3A, %ne3A_14 : i32
    %and3A = arith.andi %ne3A, %ne3A_15 : i1
    %sub3A = arith.constant 1 : i32
    %sub3A_16 = arith.subi %div3A, %sub3A : i32
    %select_n3A = arith.select %and3A, %sub3A_16, %div3A : i32
    %jit3A_17 = arith.constant 4 : i32
    %eq3A = arith.constant 0 : i32
    %eq3A_18 = arith.cmpi eq, %jit3A_17, %eq3A : i32
    %jit3A_19 = arith.constant 1 : i32
    %select_n3A_20 = arith.select %eq3A_18, %jit3A_19, %jit3A_17 : i32
    %rem3A_21 = arith.remsi %add3A, %select_n3A_20 : i32
    %ne3A_22 = arith.constant 0 : i32
    %ne3A_23 = arith.cmpi ne, %rem3A_21, %ne3A_22 : i32
    %lt3A = arith.constant 0 : i32
    %lt3A_24 = arith.cmpi slt, %rem3A_21, %lt3A : i32
    %lt3A_25 = arith.constant 0 : i32
    %lt3A_26 = arith.cmpi slt, %select_n3A_20, %lt3A_25 : i32
    %ne3A_27 = arith.xori %lt3A_24, %lt3A_26 : i1
    %and3A_28 = arith.andi %ne3A_27, %ne3A_23 : i1
    %add3A_29 = arith.addi %rem3A_21, %select_n3A_20 : i32
    %select_n3A_30 = arith.select %and3A_28, %add3A_29, %rem3A_21 : i32
    %mul3A_31 = arith.constant 8192 : i32
    %mul3A_32 = arith.muli %select_n3A, %mul3A_31 : i32
    %mul3A_33 = arith.constant 2048 : i32
    %mul3A_34 = arith.muli %select_n3A_30, %mul3A_33 : i32
    %add3A_35 = arith.addi %mul3A_32, %mul3A_34 : i32
    %add3A_36 = arith.constant 0 : i32
    %add3A_37 = arith.addi %add3A_35, %add3A_36 : i32
    "tpu.region"() ({
      %run_scoped3A = tpu.sem_alloc : memref<!tpu.dma_semaphore, #tpu.memory_space<semaphore_mem>>
      %dma_start3A_237 = tpu.memref_slice %arg3[%add3A_37] : memref<65536xi32, #tpu.memory_space<hbm>> -> memref<128xi32, #tpu.memory_space<hbm>>
      %dma_start3A_238 = tpu.memref_slice %arg3[%add3A_37] : memref<65536xi32, #tpu.memory_space<hbm>> -> memref<128xi32, #tpu.memory_space<hbm>>
      tpu.enqueue_dma source(%dma_start3A_238 : memref<128xi32, #tpu.memory_space<hbm>>) target(%arg5 : memref<128xi32, #tpu.memory_space<vmem>>) target_semaphore(%run_scoped3A : memref<!tpu.dma_semaphore, #tpu.memory_space<semaphore_mem>>)
      %dma_wait3A_239 = tpu.memref_slice %arg3[%add3A_37] : memref<65536xi32, #tpu.memory_space<hbm>> -> memref<128xi32, #tpu.memory_space<hbm>>
      %dma_wait3A_240 = tpu.memref_slice %arg3[%add3A_37] : memref<65536xi32, #tpu.memory_space<hbm>> -> memref<128xi32, #tpu.memory_space<hbm>>
      tpu.wait_dma2 semaphore(%run_scoped3A : memref<!tpu.dma_semaphore, #tpu.memory_space<semaphore_mem>>) src(%dma_wait3A_240 : memref<128xi32, #tpu.memory_space<hbm>>) dst(%arg5 : memref<128xi32, #tpu.memory_space<vmem>>)
      tpu.yield
    }) : () -> ()
    %dma_start3A = arith.constant 0 : i32
    %dma_start3A_38 = arith.constant 0 : i32
    %dma_start3A_39 = tpu.memref_slice %arg2[%dma_start3A, %dma_start3A_38] : memref<65536x128xf32, #tpu.memory_space<hbm>> -> memref<65536x128xf32, #tpu.memory_space<hbm>>
    tpu.enqueue_indirect_dma source(%dma_start3A_39 : memref<65536x128xf32, #tpu.memory_space<hbm>>) target(%arg6 : memref<128x128xf32, #tpu.memory_space<vmem>>) offsets(%arg5 : memref<128xi32, #tpu.memory_space<vmem>>) semaphore(%arg7 : memref<!tpu.dma_semaphore, #tpu.memory_space<semaphore_mem>>)
    %dma_wait3A = arith.constant 0 : i32
    %dma_wait3A_40 = arith.constant 0 : i32
    %dma_wait3A_41 = tpu.memref_slice %arg2[%dma_wait3A, %dma_wait3A_40] : memref<65536x128xf32, #tpu.memory_space<hbm>> -> memref<65536x128xf32, #tpu.memory_space<hbm>>
    tpu.wait_indirect_dma semaphore(%arg7 : memref<!tpu.dma_semaphore, #tpu.memory_space<semaphore_mem>>) src(%dma_wait3A_41 : memref<65536x128xf32, #tpu.memory_space<hbm>>) dst(%arg6 : memref<128x128xf32, #tpu.memory_space<vmem>>)
    "tpu.region"() ({
      %run_scoped3A = tpu.sem_alloc : memref<!tpu.dma_semaphore, #tpu.memory_space<semaphore_mem>>
      %dma_start3A_237 = arith.constant 0 : i32
      %dma_start3A_238 = tpu.memref_slice %arg4[%add3A_37, %dma_start3A_237] : memref<65536x128xf32, #tpu.memory_space<hbm>> -> memref<128x128xf32, #tpu.memory_space<hbm>>
      %dma_start3A_239 = arith.constant 0 : i32
      %dma_start3A_240 = tpu.memref_slice %arg4[%add3A_37, %dma_start3A_239] : memref<65536x128xf32, #tpu.memory_space<hbm>> -> memref<128x128xf32, #tpu.memory_space<hbm>>
      tpu.enqueue_dma source(%arg6 : memref<128x128xf32, #tpu.memory_space<vmem>>) target(%dma_start3A_240 : memref<128x128xf32, #tpu.memory_space<hbm>>) target_semaphore(%run_scoped3A : memref<!tpu.dma_semaphore, #tpu.memory_space<semaphore_mem>>)
      %dma_wait3A_241 = arith.constant 0 : i32
      %dma_wait3A_242 = tpu.memref_slice %arg4[%add3A_37, %dma_wait3A_241] : memref<65536x128xf32, #tpu.memory_space<hbm>> -> memref<128x128xf32, #tpu.memory_space<hbm>>
      %dma_wait3A_243 = arith.constant 0 : i32
      %dma_wait3A_244 = tpu.memref_slice %arg4[%add3A_37, %dma_wait3A_243] : memref<65536x128xf32, #tpu.memory_space<hbm>> -> memref<128x128xf32, #tpu.memory_space<hbm>>
      tpu.wait_dma2 semaphore(%run_scoped3A : memref<!tpu.dma_semaphore, #tpu.memory_space<semaphore_mem>>) src(%arg6 : memref<128x128xf32, #tpu.memory_space<vmem>>) dst(%dma_wait3A_244 : memref<128x128xf32, #tpu.memory_space<hbm>>)
      tpu.yield
    }) : () -> ()
    %mul3A_42 = arith.constant 8192 : i32
    %mul3A_43 = arith.muli %select_n3A, %mul3A_42 : i32
    %mul3A_44 = arith.constant 2048 : i32
    %mul3A_45 = arith.muli %select_n3A_30, %mul3A_44 : i32
    %add3A_46 = arith.addi %mul3A_43, %mul3A_45 : i32
    %add3A_47 = arith.constant 128 : i32
    %add3A_48 = arith.addi %add3A_46, %add3A_47 : i32
    "tpu.region"() ({
      %run_scoped3A = tpu.sem_alloc : memref<!tpu.dma_semaphore, #tpu.memory_space<semaphore_mem>>
      %dma_start3A_237 = tpu.memref_slice %arg3[%add3A_48] : memref<65536xi32, #tpu.memory_space<hbm>> -> memref<128xi32, #tpu.memory_space<hbm>>
      %dma_start3A_238 = tpu.memref_slice %arg3[%add3A_48] : memref<65536xi32, #tpu.memory_space<hbm>> -> memref<128xi32, #tpu.memory_space<hbm>>
      tpu.enqueue_dma source(%dma_start3A_238 : memref<128xi32, #tpu.memory_space<hbm>>) target(%arg5 : memref<128xi32, #tpu.memory_space<vmem>>) target_semaphore(%run_scoped3A : memref<!tpu.dma_semaphore, #tpu.memory_space<semaphore_mem>>)
      %dma_wait3A_239 = tpu.memref_slice %arg3[%add3A_48] : memref<65536xi32, #tpu.memory_space<hbm>> -> memref<128xi32, #tpu.memory_space<hbm>>
      %dma_wait3A_240 = tpu.memref_slice %arg3[%add3A_48] : memref<65536xi32, #tpu.memory_space<hbm>> -> memref<128xi32, #tpu.memory_space<hbm>>
      tpu.wait_dma2 semaphore(%run_scoped3A : memref<!tpu.dma_semaphore, #tpu.memory_space<semaphore_mem>>) src(%dma_wait3A_240 : memref<128xi32, #tpu.memory_space<hbm>>) dst(%arg5 : memref<128xi32, #tpu.memory_space<vmem>>)
      tpu.yield
    }) : () -> ()
    %dma_start3A_49 = arith.constant 0 : i32
    %dma_start3A_50 = arith.constant 0 : i32
    %dma_start3A_51 = tpu.memref_slice %arg2[%dma_start3A_49, %dma_start3A_50] : memref<65536x128xf32, #tpu.memory_space<hbm>> -> memref<65536x128xf32, #tpu.memory_space<hbm>>
    tpu.enqueue_indirect_dma source(%dma_start3A_51 : memref<65536x128xf32, #tpu.memory_space<hbm>>) target(%arg6 : memref<128x128xf32, #tpu.memory_space<vmem>>) offsets(%arg5 : memref<128xi32, #tpu.memory_space<vmem>>) semaphore(%arg7 : memref<!tpu.dma_semaphore, #tpu.memory_space<semaphore_mem>>)
    %dma_wait3A_52 = arith.constant 0 : i32
    %dma_wait3A_53 = arith.constant 0 : i32
    %dma_wait3A_54 = tpu.memref_slice %arg2[%dma_wait3A_52, %dma_wait3A_53] : memref<65536x128xf32, #tpu.memory_space<hbm>> -> memref<65536x128xf32, #tpu.memory_space<hbm>>
    tpu.wait_indirect_dma semaphore(%arg7 : memref<!tpu.dma_semaphore, #tpu.memory_space<semaphore_mem>>) src(%dma_wait3A_54 : memref<65536x128xf32, #tpu.memory_space<hbm>>) dst(%arg6 : memref<128x128xf32, #tpu.memory_space<vmem>>)
    "tpu.region"() ({
      %run_scoped3A = tpu.sem_alloc : memref<!tpu.dma_semaphore, #tpu.memory_space<semaphore_mem>>
      %dma_start3A_237 = arith.constant 0 : i32
      %dma_start3A_238 = tpu.memref_slice %arg4[%add3A_48, %dma_start3A_237] : memref<65536x128xf32, #tpu.memory_space<hbm>> -> memref<128x128xf32, #tpu.memory_space<hbm>>
      %dma_start3A_239 = arith.constant 0 : i32
      %dma_start3A_240 = tpu.memref_slice %arg4[%add3A_48, %dma_start3A_239] : memref<65536x128xf32, #tpu.memory_space<hbm>> -> memref<128x128xf32, #tpu.memory_space<hbm>>
      tpu.enqueue_dma source(%arg6 : memref<128x128xf32, #tpu.memory_space<vmem>>) target(%dma_start3A_240 : memref<128x128xf32, #tpu.memory_space<hbm>>) target_semaphore(%run_scoped3A : memref<!tpu.dma_semaphore, #tpu.memory_space<semaphore_mem>>)
      %dma_wait3A_241 = arith.constant 0 : i32
      %dma_wait3A_242 = tpu.memref_slice %arg4[%add3A_48, %dma_wait3A_241] : memref<65536x128xf32, #tpu.memory_space<hbm>> -> memref<128x128xf32, #tpu.memory_space<hbm>>
      %dma_wait3A_243 = arith.constant 0 : i32
      %dma_wait3A_244 = tpu.memref_slice %arg4[%add3A_48, %dma_wait3A_243] : memref<65536x128xf32, #tpu.memory_space<hbm>> -> memref<128x128xf32, #tpu.memory_space<hbm>>
      tpu.wait_dma2 semaphore(%run_scoped3A : memref<!tpu.dma_semaphore, #tpu.memory_space<semaphore_mem>>) src(%arg6 : memref<128x128xf32, #tpu.memory_space<vmem>>) dst(%dma_wait3A_244 : memref<128x128xf32, #tpu.memory_space<hbm>>)
      tpu.yield
    }) : () -> ()
    %mul3A_55 = arith.constant 8192 : i32
    %mul3A_56 = arith.muli %select_n3A, %mul3A_55 : i32
    %mul3A_57 = arith.constant 2048 : i32
    %mul3A_58 = arith.muli %select_n3A_30, %mul3A_57 : i32
    %add3A_59 = arith.addi %mul3A_56, %mul3A_58 : i32
    %add3A_60 = arith.constant 256 : i32
    %add3A_61 = arith.addi %add3A_59, %add3A_60 : i32
    "tpu.region"() ({
      %run_scoped3A = tpu.sem_alloc : memref<!tpu.dma_semaphore, #tpu.memory_space<semaphore_mem>>
      %dma_start3A_237 = tpu.memref_slice %arg3[%add3A_61] : memref<65536xi32, #tpu.memory_space<hbm>> -> memref<128xi32, #tpu.memory_space<hbm>>
      %dma_start3A_238 = tpu.memref_slice %arg3[%add3A_61] : memref<65536xi32, #tpu.memory_space<hbm>> -> memref<128xi32, #tpu.memory_space<hbm>>
      tpu.enqueue_dma source(%dma_start3A_238 : memref<128xi32, #tpu.memory_space<hbm>>) target(%arg5 : memref<128xi32, #tpu.memory_space<vmem>>) target_semaphore(%run_scoped3A : memref<!tpu.dma_semaphore, #tpu.memory_space<semaphore_mem>>)
      %dma_wait3A_239 = tpu.memref_slice %arg3[%add3A_61] : memref<65536xi32, #tpu.memory_space<hbm>> -> memref<128xi32, #tpu.memory_space<hbm>>
      %dma_wait3A_240 = tpu.memref_slice %arg3[%add3A_61] : memref<65536xi32, #tpu.memory_space<hbm>> -> memref<128xi32, #tpu.memory_space<hbm>>
      tpu.wait_dma2 semaphore(%run_scoped3A : memref<!tpu.dma_semaphore, #tpu.memory_space<semaphore_mem>>) src(%dma_wait3A_240 : memref<128xi32, #tpu.memory_space<hbm>>) dst(%arg5 : memref<128xi32, #tpu.memory_space<vmem>>)
      tpu.yield
    }) : () -> ()
    %dma_start3A_62 = arith.constant 0 : i32
    %dma_start3A_63 = arith.constant 0 : i32
    %dma_start3A_64 = tpu.memref_slice %arg2[%dma_start3A_62, %dma_start3A_63] : memref<65536x128xf32, #tpu.memory_space<hbm>> -> memref<65536x128xf32, #tpu.memory_space<hbm>>
    tpu.enqueue_indirect_dma source(%dma_start3A_64 : memref<65536x128xf32, #tpu.memory_space<hbm>>) target(%arg6 : memref<128x128xf32, #tpu.memory_space<vmem>>) offsets(%arg5 : memref<128xi32, #tpu.memory_space<vmem>>) semaphore(%arg7 : memref<!tpu.dma_semaphore, #tpu.memory_space<semaphore_mem>>)
    %dma_wait3A_65 = arith.constant 0 : i32
    %dma_wait3A_66 = arith.constant 0 : i32
    %dma_wait3A_67 = tpu.memref_slice %arg2[%dma_wait3A_65, %dma_wait3A_66] : memref<65536x128xf32, #tpu.memory_space<hbm>> -> memref<65536x128xf32, #tpu.memory_space<hbm>>
    tpu.wait_indirect_dma semaphore(%arg7 : memref<!tpu.dma_semaphore, #tpu.memory_space<semaphore_mem>>) src(%dma_wait3A_67 : memref<65536x128xf32, #tpu.memory_space<hbm>>) dst(%arg6 : memref<128x128xf32, #tpu.memory_space<vmem>>)
    "tpu.region"() ({
      %run_scoped3A = tpu.sem_alloc : memref<!tpu.dma_semaphore, #tpu.memory_space<semaphore_mem>>
      %dma_start3A_237 = arith.constant 0 : i32
      %dma_start3A_238 = tpu.memref_slice %arg4[%add3A_61, %dma_start3A_237] : memref<65536x128xf32, #tpu.memory_space<hbm>> -> memref<128x128xf32, #tpu.memory_space<hbm>>
      %dma_start3A_239 = arith.constant 0 : i32
      %dma_start3A_240 = tpu.memref_slice %arg4[%add3A_61, %dma_start3A_239] : memref<65536x128xf32, #tpu.memory_space<hbm>> -> memref<128x128xf32, #tpu.memory_space<hbm>>
      tpu.enqueue_dma source(%arg6 : memref<128x128xf32, #tpu.memory_space<vmem>>) target(%dma_start3A_240 : memref<128x128xf32, #tpu.memory_space<hbm>>) target_semaphore(%run_scoped3A : memref<!tpu.dma_semaphore, #tpu.memory_space<semaphore_mem>>)
      %dma_wait3A_241 = arith.constant 0 : i32
      %dma_wait3A_242 = tpu.memref_slice %arg4[%add3A_61, %dma_wait3A_241] : memref<65536x128xf32, #tpu.memory_space<hbm>> -> memref<128x128xf32, #tpu.memory_space<hbm>>
      %dma_wait3A_243 = arith.constant 0 : i32
      %dma_wait3A_244 = tpu.memref_slice %arg4[%add3A_61, %dma_wait3A_243] : memref<65536x128xf32, #tpu.memory_space<hbm>> -> memref<128x128xf32, #tpu.memory_space<hbm>>
      tpu.wait_dma2 semaphore(%run_scoped3A : memref<!tpu.dma_semaphore, #tpu.memory_space<semaphore_mem>>) src(%arg6 : memref<128x128xf32, #tpu.memory_space<vmem>>) dst(%dma_wait3A_244 : memref<128x128xf32, #tpu.memory_space<hbm>>)
      tpu.yield
    }) : () -> ()
    %mul3A_68 = arith.constant 8192 : i32
    %mul3A_69 = arith.muli %select_n3A, %mul3A_68 : i32
    %mul3A_70 = arith.constant 2048 : i32
    %mul3A_71 = arith.muli %select_n3A_30, %mul3A_70 : i32
    %add3A_72 = arith.addi %mul3A_69, %mul3A_71 : i32
    %add3A_73 = arith.constant 384 : i32
    %add3A_74 = arith.addi %add3A_72, %add3A_73 : i32
    "tpu.region"() ({
      %run_scoped3A = tpu.sem_alloc : memref<!tpu.dma_semaphore, #tpu.memory_space<semaphore_mem>>
      %dma_start3A_237 = tpu.memref_slice %arg3[%add3A_74] : memref<65536xi32, #tpu.memory_space<hbm>> -> memref<128xi32, #tpu.memory_space<hbm>>
      %dma_start3A_238 = tpu.memref_slice %arg3[%add3A_74] : memref<65536xi32, #tpu.memory_space<hbm>> -> memref<128xi32, #tpu.memory_space<hbm>>
      tpu.enqueue_dma source(%dma_start3A_238 : memref<128xi32, #tpu.memory_space<hbm>>) target(%arg5 : memref<128xi32, #tpu.memory_space<vmem>>) target_semaphore(%run_scoped3A : memref<!tpu.dma_semaphore, #tpu.memory_space<semaphore_mem>>)
      %dma_wait3A_239 = tpu.memref_slice %arg3[%add3A_74] : memref<65536xi32, #tpu.memory_space<hbm>> -> memref<128xi32, #tpu.memory_space<hbm>>
      %dma_wait3A_240 = tpu.memref_slice %arg3[%add3A_74] : memref<65536xi32, #tpu.memory_space<hbm>> -> memref<128xi32, #tpu.memory_space<hbm>>
      tpu.wait_dma2 semaphore(%run_scoped3A : memref<!tpu.dma_semaphore, #tpu.memory_space<semaphore_mem>>) src(%dma_wait3A_240 : memref<128xi32, #tpu.memory_space<hbm>>) dst(%arg5 : memref<128xi32, #tpu.memory_space<vmem>>)
      tpu.yield
    }) : () -> ()
    %dma_start3A_75 = arith.constant 0 : i32
    %dma_start3A_76 = arith.constant 0 : i32
    %dma_start3A_77 = tpu.memref_slice %arg2[%dma_start3A_75, %dma_start3A_76] : memref<65536x128xf32, #tpu.memory_space<hbm>> -> memref<65536x128xf32, #tpu.memory_space<hbm>>
    tpu.enqueue_indirect_dma source(%dma_start3A_77 : memref<65536x128xf32, #tpu.memory_space<hbm>>) target(%arg6 : memref<128x128xf32, #tpu.memory_space<vmem>>) offsets(%arg5 : memref<128xi32, #tpu.memory_space<vmem>>) semaphore(%arg7 : memref<!tpu.dma_semaphore, #tpu.memory_space<semaphore_mem>>)
    %dma_wait3A_78 = arith.constant 0 : i32
    %dma_wait3A_79 = arith.constant 0 : i32
    %dma_wait3A_80 = tpu.memref_slice %arg2[%dma_wait3A_78, %dma_wait3A_79] : memref<65536x128xf32, #tpu.memory_space<hbm>> -> memref<65536x128xf32, #tpu.memory_space<hbm>>
    tpu.wait_indirect_dma semaphore(%arg7 : memref<!tpu.dma_semaphore, #tpu.memory_space<semaphore_mem>>) src(%dma_wait3A_80 : memref<65536x128xf32, #tpu.memory_space<hbm>>) dst(%arg6 : memref<128x128xf32, #tpu.memory_space<vmem>>)
    "tpu.region"() ({
      %run_scoped3A = tpu.sem_alloc : memref<!tpu.dma_semaphore, #tpu.memory_space<semaphore_mem>>
      %dma_start3A_237 = arith.constant 0 : i32
      %dma_start3A_238 = tpu.memref_slice %arg4[%add3A_74, %dma_start3A_237] : memref<65536x128xf32, #tpu.memory_space<hbm>> -> memref<128x128xf32, #tpu.memory_space<hbm>>
      %dma_start3A_239 = arith.constant 0 : i32
      %dma_start3A_240 = tpu.memref_slice %arg4[%add3A_74, %dma_start3A_239] : memref<65536x128xf32, #tpu.memory_space<hbm>> -> memref<128x128xf32, #tpu.memory_space<hbm>>
      tpu.enqueue_dma source(%arg6 : memref<128x128xf32, #tpu.memory_space<vmem>>) target(%dma_start3A_240 : memref<128x128xf32, #tpu.memory_space<hbm>>) target_semaphore(%run_scoped3A : memref<!tpu.dma_semaphore, #tpu.memory_space<semaphore_mem>>)
      %dma_wait3A_241 = arith.constant 0 : i32
      %dma_wait3A_242 = tpu.memref_slice %arg4[%add3A_74, %dma_wait3A_241] : memref<65536x128xf32, #tpu.memory_space<hbm>> -> memref<128x128xf32, #tpu.memory_space<hbm>>
      %dma_wait3A_243 = arith.constant 0 : i32
      %dma_wait3A_244 = tpu.memref_slice %arg4[%add3A_74, %dma_wait3A_243] : memref<65536x128xf32, #tpu.memory_space<hbm>> -> memref<128x128xf32, #tpu.memory_space<hbm>>
      tpu.wait_dma2 semaphore(%run_scoped3A : memref<!tpu.dma_semaphore, #tpu.memory_space<semaphore_mem>>) src(%arg6 : memref<128x128xf32, #tpu.memory_space<vmem>>) dst(%dma_wait3A_244 : memref<128x128xf32, #tpu.memory_space<hbm>>)
      tpu.yield
    }) : () -> ()
    %mul3A_81 = arith.constant 8192 : i32
    %mul3A_82 = arith.muli %select_n3A, %mul3A_81 : i32
    %mul3A_83 = arith.constant 2048 : i32
    %mul3A_84 = arith.muli %select_n3A_30, %mul3A_83 : i32
    %add3A_85 = arith.addi %mul3A_82, %mul3A_84 : i32
    %add3A_86 = arith.constant 512 : i32
    %add3A_87 = arith.addi %add3A_85, %add3A_86 : i32
    "tpu.region"() ({
      %run_scoped3A = tpu.sem_alloc : memref<!tpu.dma_semaphore, #tpu.memory_space<semaphore_mem>>
      %dma_start3A_237 = tpu.memref_slice %arg3[%add3A_87] : memref<65536xi32, #tpu.memory_space<hbm>> -> memref<128xi32, #tpu.memory_space<hbm>>
      %dma_start3A_238 = tpu.memref_slice %arg3[%add3A_87] : memref<65536xi32, #tpu.memory_space<hbm>> -> memref<128xi32, #tpu.memory_space<hbm>>
      tpu.enqueue_dma source(%dma_start3A_238 : memref<128xi32, #tpu.memory_space<hbm>>) target(%arg5 : memref<128xi32, #tpu.memory_space<vmem>>) target_semaphore(%run_scoped3A : memref<!tpu.dma_semaphore, #tpu.memory_space<semaphore_mem>>)
      %dma_wait3A_239 = tpu.memref_slice %arg3[%add3A_87] : memref<65536xi32, #tpu.memory_space<hbm>> -> memref<128xi32, #tpu.memory_space<hbm>>
      %dma_wait3A_240 = tpu.memref_slice %arg3[%add3A_87] : memref<65536xi32, #tpu.memory_space<hbm>> -> memref<128xi32, #tpu.memory_space<hbm>>
      tpu.wait_dma2 semaphore(%run_scoped3A : memref<!tpu.dma_semaphore, #tpu.memory_space<semaphore_mem>>) src(%dma_wait3A_240 : memref<128xi32, #tpu.memory_space<hbm>>) dst(%arg5 : memref<128xi32, #tpu.memory_space<vmem>>)
      tpu.yield
    }) : () -> ()
    %dma_start3A_88 = arith.constant 0 : i32
    %dma_start3A_89 = arith.constant 0 : i32
    %dma_start3A_90 = tpu.memref_slice %arg2[%dma_start3A_88, %dma_start3A_89] : memref<65536x128xf32, #tpu.memory_space<hbm>> -> memref<65536x128xf32, #tpu.memory_space<hbm>>
    tpu.enqueue_indirect_dma source(%dma_start3A_90 : memref<65536x128xf32, #tpu.memory_space<hbm>>) target(%arg6 : memref<128x128xf32, #tpu.memory_space<vmem>>) offsets(%arg5 : memref<128xi32, #tpu.memory_space<vmem>>) semaphore(%arg7 : memref<!tpu.dma_semaphore, #tpu.memory_space<semaphore_mem>>)
    %dma_wait3A_91 = arith.constant 0 : i32
    %dma_wait3A_92 = arith.constant 0 : i32
    %dma_wait3A_93 = tpu.memref_slice %arg2[%dma_wait3A_91, %dma_wait3A_92] : memref<65536x128xf32, #tpu.memory_space<hbm>> -> memref<65536x128xf32, #tpu.memory_space<hbm>>
    tpu.wait_indirect_dma semaphore(%arg7 : memref<!tpu.dma_semaphore, #tpu.memory_space<semaphore_mem>>) src(%dma_wait3A_93 : memref<65536x128xf32, #tpu.memory_space<hbm>>) dst(%arg6 : memref<128x128xf32, #tpu.memory_space<vmem>>)
    "tpu.region"() ({
      %run_scoped3A = tpu.sem_alloc : memref<!tpu.dma_semaphore, #tpu.memory_space<semaphore_mem>>
      %dma_start3A_237 = arith.constant 0 : i32
      %dma_start3A_238 = tpu.memref_slice %arg4[%add3A_87, %dma_start3A_237] : memref<65536x128xf32, #tpu.memory_space<hbm>> -> memref<128x128xf32, #tpu.memory_space<hbm>>
      %dma_start3A_239 = arith.constant 0 : i32
      %dma_start3A_240 = tpu.memref_slice %arg4[%add3A_87, %dma_start3A_239] : memref<65536x128xf32, #tpu.memory_space<hbm>> -> memref<128x128xf32, #tpu.memory_space<hbm>>
      tpu.enqueue_dma source(%arg6 : memref<128x128xf32, #tpu.memory_space<vmem>>) target(%dma_start3A_240 : memref<128x128xf32, #tpu.memory_space<hbm>>) target_semaphore(%run_scoped3A : memref<!tpu.dma_semaphore, #tpu.memory_space<semaphore_mem>>)
      %dma_wait3A_241 = arith.constant 0 : i32
      %dma_wait3A_242 = tpu.memref_slice %arg4[%add3A_87, %dma_wait3A_241] : memref<65536x128xf32, #tpu.memory_space<hbm>> -> memref<128x128xf32, #tpu.memory_space<hbm>>
      %dma_wait3A_243 = arith.constant 0 : i32
      %dma_wait3A_244 = tpu.memref_slice %arg4[%add3A_87, %dma_wait3A_243] : memref<65536x128xf32, #tpu.memory_space<hbm>> -> memref<128x128xf32, #tpu.memory_space<hbm>>
      tpu.wait_dma2 semaphore(%run_scoped3A : memref<!tpu.dma_semaphore, #tpu.memory_space<semaphore_mem>>) src(%arg6 : memref<128x128xf32, #tpu.memory_space<vmem>>) dst(%dma_wait3A_244 : memref<128x128xf32, #tpu.memory_space<hbm>>)
      tpu.yield
    }) : () -> ()
    %mul3A_94 = arith.constant 8192 : i32
    %mul3A_95 = arith.muli %select_n3A, %mul3A_94 : i32
    %mul3A_96 = arith.constant 2048 : i32
    %mul3A_97 = arith.muli %select_n3A_30, %mul3A_96 : i32
    %add3A_98 = arith.addi %mul3A_95, %mul3A_97 : i32
    %add3A_99 = arith.constant 640 : i32
    %add3A_100 = arith.addi %add3A_98, %add3A_99 : i32
    "tpu.region"() ({
      %run_scoped3A = tpu.sem_alloc : memref<!tpu.dma_semaphore, #tpu.memory_space<semaphore_mem>>
      %dma_start3A_237 = tpu.memref_slice %arg3[%add3A_100] : memref<65536xi32, #tpu.memory_space<hbm>> -> memref<128xi32, #tpu.memory_space<hbm>>
      %dma_start3A_238 = tpu.memref_slice %arg3[%add3A_100] : memref<65536xi32, #tpu.memory_space<hbm>> -> memref<128xi32, #tpu.memory_space<hbm>>
      tpu.enqueue_dma source(%dma_start3A_238 : memref<128xi32, #tpu.memory_space<hbm>>) target(%arg5 : memref<128xi32, #tpu.memory_space<vmem>>) target_semaphore(%run_scoped3A : memref<!tpu.dma_semaphore, #tpu.memory_space<semaphore_mem>>)
      %dma_wait3A_239 = tpu.memref_slice %arg3[%add3A_100] : memref<65536xi32, #tpu.memory_space<hbm>> -> memref<128xi32, #tpu.memory_space<hbm>>
      %dma_wait3A_240 = tpu.memref_slice %arg3[%add3A_100] : memref<65536xi32, #tpu.memory_space<hbm>> -> memref<128xi32, #tpu.memory_space<hbm>>
      tpu.wait_dma2 semaphore(%run_scoped3A : memref<!tpu.dma_semaphore, #tpu.memory_space<semaphore_mem>>) src(%dma_wait3A_240 : memref<128xi32, #tpu.memory_space<hbm>>) dst(%arg5 : memref<128xi32, #tpu.memory_space<vmem>>)
      tpu.yield
    }) : () -> ()
    %dma_start3A_101 = arith.constant 0 : i32
    %dma_start3A_102 = arith.constant 0 : i32
    %dma_start3A_103 = tpu.memref_slice %arg2[%dma_start3A_101, %dma_start3A_102] : memref<65536x128xf32, #tpu.memory_space<hbm>> -> memref<65536x128xf32, #tpu.memory_space<hbm>>
    tpu.enqueue_indirect_dma source(%dma_start3A_103 : memref<65536x128xf32, #tpu.memory_space<hbm>>) target(%arg6 : memref<128x128xf32, #tpu.memory_space<vmem>>) offsets(%arg5 : memref<128xi32, #tpu.memory_space<vmem>>) semaphore(%arg7 : memref<!tpu.dma_semaphore, #tpu.memory_space<semaphore_mem>>)
    %dma_wait3A_104 = arith.constant 0 : i32
    %dma_wait3A_105 = arith.constant 0 : i32
    %dma_wait3A_106 = tpu.memref_slice %arg2[%dma_wait3A_104, %dma_wait3A_105] : memref<65536x128xf32, #tpu.memory_space<hbm>> -> memref<65536x128xf32, #tpu.memory_space<hbm>>
    tpu.wait_indirect_dma semaphore(%arg7 : memref<!tpu.dma_semaphore, #tpu.memory_space<semaphore_mem>>) src(%dma_wait3A_106 : memref<65536x128xf32, #tpu.memory_space<hbm>>) dst(%arg6 : memref<128x128xf32, #tpu.memory_space<vmem>>)
    "tpu.region"() ({
      %run_scoped3A = tpu.sem_alloc : memref<!tpu.dma_semaphore, #tpu.memory_space<semaphore_mem>>
      %dma_start3A_237 = arith.constant 0 : i32
      %dma_start3A_238 = tpu.memref_slice %arg4[%add3A_100, %dma_start3A_237] : memref<65536x128xf32, #tpu.memory_space<hbm>> -> memref<128x128xf32, #tpu.memory_space<hbm>>
      %dma_start3A_239 = arith.constant 0 : i32
      %dma_start3A_240 = tpu.memref_slice %arg4[%add3A_100, %dma_start3A_239] : memref<65536x128xf32, #tpu.memory_space<hbm>> -> memref<128x128xf32, #tpu.memory_space<hbm>>
      tpu.enqueue_dma source(%arg6 : memref<128x128xf32, #tpu.memory_space<vmem>>) target(%dma_start3A_240 : memref<128x128xf32, #tpu.memory_space<hbm>>) target_semaphore(%run_scoped3A : memref<!tpu.dma_semaphore, #tpu.memory_space<semaphore_mem>>)
      %dma_wait3A_241 = arith.constant 0 : i32
      %dma_wait3A_242 = tpu.memref_slice %arg4[%add3A_100, %dma_wait3A_241] : memref<65536x128xf32, #tpu.memory_space<hbm>> -> memref<128x128xf32, #tpu.memory_space<hbm>>
      %dma_wait3A_243 = arith.constant 0 : i32
      %dma_wait3A_244 = tpu.memref_slice %arg4[%add3A_100, %dma_wait3A_243] : memref<65536x128xf32, #tpu.memory_space<hbm>> -> memref<128x128xf32, #tpu.memory_space<hbm>>
      tpu.wait_dma2 semaphore(%run_scoped3A : memref<!tpu.dma_semaphore, #tpu.memory_space<semaphore_mem>>) src(%arg6 : memref<128x128xf32, #tpu.memory_space<vmem>>) dst(%dma_wait3A_244 : memref<128x128xf32, #tpu.memory_space<hbm>>)
      tpu.yield
    }) : () -> ()
    %mul3A_107 = arith.constant 8192 : i32
    %mul3A_108 = arith.muli %select_n3A, %mul3A_107 : i32
    %mul3A_109 = arith.constant 2048 : i32
    %mul3A_110 = arith.muli %select_n3A_30, %mul3A_109 : i32
    %add3A_111 = arith.addi %mul3A_108, %mul3A_110 : i32
    %add3A_112 = arith.constant 768 : i32
    %add3A_113 = arith.addi %add3A_111, %add3A_112 : i32
    "tpu.region"() ({
      %run_scoped3A = tpu.sem_alloc : memref<!tpu.dma_semaphore, #tpu.memory_space<semaphore_mem>>
      %dma_start3A_237 = tpu.memref_slice %arg3[%add3A_113] : memref<65536xi32, #tpu.memory_space<hbm>> -> memref<128xi32, #tpu.memory_space<hbm>>
      %dma_start3A_238 = tpu.memref_slice %arg3[%add3A_113] : memref<65536xi32, #tpu.memory_space<hbm>> -> memref<128xi32, #tpu.memory_space<hbm>>
      tpu.enqueue_dma source(%dma_start3A_238 : memref<128xi32, #tpu.memory_space<hbm>>) target(%arg5 : memref<128xi32, #tpu.memory_space<vmem>>) target_semaphore(%run_scoped3A : memref<!tpu.dma_semaphore, #tpu.memory_space<semaphore_mem>>)
      %dma_wait3A_239 = tpu.memref_slice %arg3[%add3A_113] : memref<65536xi32, #tpu.memory_space<hbm>> -> memref<128xi32, #tpu.memory_space<hbm>>
      %dma_wait3A_240 = tpu.memref_slice %arg3[%add3A_113] : memref<65536xi32, #tpu.memory_space<hbm>> -> memref<128xi32, #tpu.memory_space<hbm>>
      tpu.wait_dma2 semaphore(%run_scoped3A : memref<!tpu.dma_semaphore, #tpu.memory_space<semaphore_mem>>) src(%dma_wait3A_240 : memref<128xi32, #tpu.memory_space<hbm>>) dst(%arg5 : memref<128xi32, #tpu.memory_space<vmem>>)
      tpu.yield
    }) : () -> ()
    %dma_start3A_114 = arith.constant 0 : i32
    %dma_start3A_115 = arith.constant 0 : i32
    %dma_start3A_116 = tpu.memref_slice %arg2[%dma_start3A_114, %dma_start3A_115] : memref<65536x128xf32, #tpu.memory_space<hbm>> -> memref<65536x128xf32, #tpu.memory_space<hbm>>
    tpu.enqueue_indirect_dma source(%dma_start3A_116 : memref<65536x128xf32, #tpu.memory_space<hbm>>) target(%arg6 : memref<128x128xf32, #tpu.memory_space<vmem>>) offsets(%arg5 : memref<128xi32, #tpu.memory_space<vmem>>) semaphore(%arg7 : memref<!tpu.dma_semaphore, #tpu.memory_space<semaphore_mem>>)
    %dma_wait3A_117 = arith.constant 0 : i32
    %dma_wait3A_118 = arith.constant 0 : i32
    %dma_wait3A_119 = tpu.memref_slice %arg2[%dma_wait3A_117, %dma_wait3A_118] : memref<65536x128xf32, #tpu.memory_space<hbm>> -> memref<65536x128xf32, #tpu.memory_space<hbm>>
    tpu.wait_indirect_dma semaphore(%arg7 : memref<!tpu.dma_semaphore, #tpu.memory_space<semaphore_mem>>) src(%dma_wait3A_119 : memref<65536x128xf32, #tpu.memory_space<hbm>>) dst(%arg6 : memref<128x128xf32, #tpu.memory_space<vmem>>)
    "tpu.region"() ({
      %run_scoped3A = tpu.sem_alloc : memref<!tpu.dma_semaphore, #tpu.memory_space<semaphore_mem>>
      %dma_start3A_237 = arith.constant 0 : i32
      %dma_start3A_238 = tpu.memref_slice %arg4[%add3A_113, %dma_start3A_237] : memref<65536x128xf32, #tpu.memory_space<hbm>> -> memref<128x128xf32, #tpu.memory_space<hbm>>
      %dma_start3A_239 = arith.constant 0 : i32
      %dma_start3A_240 = tpu.memref_slice %arg4[%add3A_113, %dma_start3A_239] : memref<65536x128xf32, #tpu.memory_space<hbm>> -> memref<128x128xf32, #tpu.memory_space<hbm>>
      tpu.enqueue_dma source(%arg6 : memref<128x128xf32, #tpu.memory_space<vmem>>) target(%dma_start3A_240 : memref<128x128xf32, #tpu.memory_space<hbm>>) target_semaphore(%run_scoped3A : memref<!tpu.dma_semaphore, #tpu.memory_space<semaphore_mem>>)
      %dma_wait3A_241 = arith.constant 0 : i32
      %dma_wait3A_242 = tpu.memref_slice %arg4[%add3A_113, %dma_wait3A_241] : memref<65536x128xf32, #tpu.memory_space<hbm>> -> memref<128x128xf32, #tpu.memory_space<hbm>>
      %dma_wait3A_243 = arith.constant 0 : i32
      %dma_wait3A_244 = tpu.memref_slice %arg4[%add3A_113, %dma_wait3A_243] : memref<65536x128xf32, #tpu.memory_space<hbm>> -> memref<128x128xf32, #tpu.memory_space<hbm>>
      tpu.wait_dma2 semaphore(%run_scoped3A : memref<!tpu.dma_semaphore, #tpu.memory_space<semaphore_mem>>) src(%arg6 : memref<128x128xf32, #tpu.memory_space<vmem>>) dst(%dma_wait3A_244 : memref<128x128xf32, #tpu.memory_space<hbm>>)
      tpu.yield
    }) : () -> ()
    %mul3A_120 = arith.constant 8192 : i32
    %mul3A_121 = arith.muli %select_n3A, %mul3A_120 : i32
    %mul3A_122 = arith.constant 2048 : i32
    %mul3A_123 = arith.muli %select_n3A_30, %mul3A_122 : i32
    %add3A_124 = arith.addi %mul3A_121, %mul3A_123 : i32
    %add3A_125 = arith.constant 896 : i32
    %add3A_126 = arith.addi %add3A_124, %add3A_125 : i32
    "tpu.region"() ({
      %run_scoped3A = tpu.sem_alloc : memref<!tpu.dma_semaphore, #tpu.memory_space<semaphore_mem>>
      %dma_start3A_237 = tpu.memref_slice %arg3[%add3A_126] : memref<65536xi32, #tpu.memory_space<hbm>> -> memref<128xi32, #tpu.memory_space<hbm>>
      %dma_start3A_238 = tpu.memref_slice %arg3[%add3A_126] : memref<65536xi32, #tpu.memory_space<hbm>> -> memref<128xi32, #tpu.memory_space<hbm>>
      tpu.enqueue_dma source(%dma_start3A_238 : memref<128xi32, #tpu.memory_space<hbm>>) target(%arg5 : memref<128xi32, #tpu.memory_space<vmem>>) target_semaphore(%run_scoped3A : memref<!tpu.dma_semaphore, #tpu.memory_space<semaphore_mem>>)
      %dma_wait3A_239 = tpu.memref_slice %arg3[%add3A_126] : memref<65536xi32, #tpu.memory_space<hbm>> -> memref<128xi32, #tpu.memory_space<hbm>>
      %dma_wait3A_240 = tpu.memref_slice %arg3[%add3A_126] : memref<65536xi32, #tpu.memory_space<hbm>> -> memref<128xi32, #tpu.memory_space<hbm>>
      tpu.wait_dma2 semaphore(%run_scoped3A : memref<!tpu.dma_semaphore, #tpu.memory_space<semaphore_mem>>) src(%dma_wait3A_240 : memref<128xi32, #tpu.memory_space<hbm>>) dst(%arg5 : memref<128xi32, #tpu.memory_space<vmem>>)
      tpu.yield
    }) : () -> ()
    %dma_start3A_127 = arith.constant 0 : i32
    %dma_start3A_128 = arith.constant 0 : i32
    %dma_start3A_129 = tpu.memref_slice %arg2[%dma_start3A_127, %dma_start3A_128] : memref<65536x128xf32, #tpu.memory_space<hbm>> -> memref<65536x128xf32, #tpu.memory_space<hbm>>
    tpu.enqueue_indirect_dma source(%dma_start3A_129 : memref<65536x128xf32, #tpu.memory_space<hbm>>) target(%arg6 : memref<128x128xf32, #tpu.memory_space<vmem>>) offsets(%arg5 : memref<128xi32, #tpu.memory_space<vmem>>) semaphore(%arg7 : memref<!tpu.dma_semaphore, #tpu.memory_space<semaphore_mem>>)
    %dma_wait3A_130 = arith.constant 0 : i32
    %dma_wait3A_131 = arith.constant 0 : i32
    %dma_wait3A_132 = tpu.memref_slice %arg2[%dma_wait3A_130, %dma_wait3A_131] : memref<65536x128xf32, #tpu.memory_space<hbm>> -> memref<65536x128xf32, #tpu.memory_space<hbm>>
    tpu.wait_indirect_dma semaphore(%arg7 : memref<!tpu.dma_semaphore, #tpu.memory_space<semaphore_mem>>) src(%dma_wait3A_132 : memref<65536x128xf32, #tpu.memory_space<hbm>>) dst(%arg6 : memref<128x128xf32, #tpu.memory_space<vmem>>)
    "tpu.region"() ({
      %run_scoped3A = tpu.sem_alloc : memref<!tpu.dma_semaphore, #tpu.memory_space<semaphore_mem>>
      %dma_start3A_237 = arith.constant 0 : i32
      %dma_start3A_238 = tpu.memref_slice %arg4[%add3A_126, %dma_start3A_237] : memref<65536x128xf32, #tpu.memory_space<hbm>> -> memref<128x128xf32, #tpu.memory_space<hbm>>
      %dma_start3A_239 = arith.constant 0 : i32
      %dma_start3A_240 = tpu.memref_slice %arg4[%add3A_126, %dma_start3A_239] : memref<65536x128xf32, #tpu.memory_space<hbm>> -> memref<128x128xf32, #tpu.memory_space<hbm>>
      tpu.enqueue_dma source(%arg6 : memref<128x128xf32, #tpu.memory_space<vmem>>) target(%dma_start3A_240 : memref<128x128xf32, #tpu.memory_space<hbm>>) target_semaphore(%run_scoped3A : memref<!tpu.dma_semaphore, #tpu.memory_space<semaphore_mem>>)
      %dma_wait3A_241 = arith.constant 0 : i32
      %dma_wait3A_242 = tpu.memref_slice %arg4[%add3A_126, %dma_wait3A_241] : memref<65536x128xf32, #tpu.memory_space<hbm>> -> memref<128x128xf32, #tpu.memory_space<hbm>>
      %dma_wait3A_243 = arith.constant 0 : i32
      %dma_wait3A_244 = tpu.memref_slice %arg4[%add3A_126, %dma_wait3A_243] : memref<65536x128xf32, #tpu.memory_space<hbm>> -> memref<128x128xf32, #tpu.memory_space<hbm>>
      tpu.wait_dma2 semaphore(%run_scoped3A : memref<!tpu.dma_semaphore, #tpu.memory_space<semaphore_mem>>) src(%arg6 : memref<128x128xf32, #tpu.memory_space<vmem>>) dst(%dma_wait3A_244 : memref<128x128xf32, #tpu.memory_space<hbm>>)
      tpu.yield
    }) : () -> ()
    %mul3A_133 = arith.constant 8192 : i32
    %mul3A_134 = arith.muli %select_n3A, %mul3A_133 : i32
    %mul3A_135 = arith.constant 2048 : i32
    %mul3A_136 = arith.muli %select_n3A_30, %mul3A_135 : i32
    %add3A_137 = arith.addi %mul3A_134, %mul3A_136 : i32
    %add3A_138 = arith.constant 1024 : i32
    %add3A_139 = arith.addi %add3A_137, %add3A_138 : i32
    "tpu.region"() ({
      %run_scoped3A = tpu.sem_alloc : memref<!tpu.dma_semaphore, #tpu.memory_space<semaphore_mem>>
      %dma_start3A_237 = tpu.memref_slice %arg3[%add3A_139] : memref<65536xi32, #tpu.memory_space<hbm>> -> memref<128xi32, #tpu.memory_space<hbm>>
      %dma_start3A_238 = tpu.memref_slice %arg3[%add3A_139] : memref<65536xi32, #tpu.memory_space<hbm>> -> memref<128xi32, #tpu.memory_space<hbm>>
      tpu.enqueue_dma source(%dma_start3A_238 : memref<128xi32, #tpu.memory_space<hbm>>) target(%arg5 : memref<128xi32, #tpu.memory_space<vmem>>) target_semaphore(%run_scoped3A : memref<!tpu.dma_semaphore, #tpu.memory_space<semaphore_mem>>)
      %dma_wait3A_239 = tpu.memref_slice %arg3[%add3A_139] : memref<65536xi32, #tpu.memory_space<hbm>> -> memref<128xi32, #tpu.memory_space<hbm>>
      %dma_wait3A_240 = tpu.memref_slice %arg3[%add3A_139] : memref<65536xi32, #tpu.memory_space<hbm>> -> memref<128xi32, #tpu.memory_space<hbm>>
      tpu.wait_dma2 semaphore(%run_scoped3A : memref<!tpu.dma_semaphore, #tpu.memory_space<semaphore_mem>>) src(%dma_wait3A_240 : memref<128xi32, #tpu.memory_space<hbm>>) dst(%arg5 : memref<128xi32, #tpu.memory_space<vmem>>)
      tpu.yield
    }) : () -> ()
    %dma_start3A_140 = arith.constant 0 : i32
    %dma_start3A_141 = arith.constant 0 : i32
    %dma_start3A_142 = tpu.memref_slice %arg2[%dma_start3A_140, %dma_start3A_141] : memref<65536x128xf32, #tpu.memory_space<hbm>> -> memref<65536x128xf32, #tpu.memory_space<hbm>>
    tpu.enqueue_indirect_dma source(%dma_start3A_142 : memref<65536x128xf32, #tpu.memory_space<hbm>>) target(%arg6 : memref<128x128xf32, #tpu.memory_space<vmem>>) offsets(%arg5 : memref<128xi32, #tpu.memory_space<vmem>>) semaphore(%arg7 : memref<!tpu.dma_semaphore, #tpu.memory_space<semaphore_mem>>)
    %dma_wait3A_143 = arith.constant 0 : i32
    %dma_wait3A_144 = arith.constant 0 : i32
    %dma_wait3A_145 = tpu.memref_slice %arg2[%dma_wait3A_143, %dma_wait3A_144] : memref<65536x128xf32, #tpu.memory_space<hbm>> -> memref<65536x128xf32, #tpu.memory_space<hbm>>
    tpu.wait_indirect_dma semaphore(%arg7 : memref<!tpu.dma_semaphore, #tpu.memory_space<semaphore_mem>>) src(%dma_wait3A_145 : memref<65536x128xf32, #tpu.memory_space<hbm>>) dst(%arg6 : memref<128x128xf32, #tpu.memory_space<vmem>>)
    "tpu.region"() ({
      %run_scoped3A = tpu.sem_alloc : memref<!tpu.dma_semaphore, #tpu.memory_space<semaphore_mem>>
      %dma_start3A_237 = arith.constant 0 : i32
      %dma_start3A_238 = tpu.memref_slice %arg4[%add3A_139, %dma_start3A_237] : memref<65536x128xf32, #tpu.memory_space<hbm>> -> memref<128x128xf32, #tpu.memory_space<hbm>>
      %dma_start3A_239 = arith.constant 0 : i32
      %dma_start3A_240 = tpu.memref_slice %arg4[%add3A_139, %dma_start3A_239] : memref<65536x128xf32, #tpu.memory_space<hbm>> -> memref<128x128xf32, #tpu.memory_space<hbm>>
      tpu.enqueue_dma source(%arg6 : memref<128x128xf32, #tpu.memory_space<vmem>>) target(%dma_start3A_240 : memref<128x128xf32, #tpu.memory_space<hbm>>) target_semaphore(%run_scoped3A : memref<!tpu.dma_semaphore, #tpu.memory_space<semaphore_mem>>)
      %dma_wait3A_241 = arith.constant 0 : i32
      %dma_wait3A_242 = tpu.memref_slice %arg4[%add3A_139, %dma_wait3A_241] : memref<65536x128xf32, #tpu.memory_space<hbm>> -> memref<128x128xf32, #tpu.memory_space<hbm>>
      %dma_wait3A_243 = arith.constant 0 : i32
      %dma_wait3A_244 = tpu.memref_slice %arg4[%add3A_139, %dma_wait3A_243] : memref<65536x128xf32, #tpu.memory_space<hbm>> -> memref<128x128xf32, #tpu.memory_space<hbm>>
      tpu.wait_dma2 semaphore(%run_scoped3A : memref<!tpu.dma_semaphore, #tpu.memory_space<semaphore_mem>>) src(%arg6 : memref<128x128xf32, #tpu.memory_space<vmem>>) dst(%dma_wait3A_244 : memref<128x128xf32, #tpu.memory_space<hbm>>)
      tpu.yield
    }) : () -> ()
    %mul3A_146 = arith.constant 8192 : i32
    %mul3A_147 = arith.muli %select_n3A, %mul3A_146 : i32
    %mul3A_148 = arith.constant 2048 : i32
    %mul3A_149 = arith.muli %select_n3A_30, %mul3A_148 : i32
    %add3A_150 = arith.addi %mul3A_147, %mul3A_149 : i32
    %add3A_151 = arith.constant 1152 : i32
    %add3A_152 = arith.addi %add3A_150, %add3A_151 : i32
    "tpu.region"() ({
      %run_scoped3A = tpu.sem_alloc : memref<!tpu.dma_semaphore, #tpu.memory_space<semaphore_mem>>
      %dma_start3A_237 = tpu.memref_slice %arg3[%add3A_152] : memref<65536xi32, #tpu.memory_space<hbm>> -> memref<128xi32, #tpu.memory_space<hbm>>
      %dma_start3A_238 = tpu.memref_slice %arg3[%add3A_152] : memref<65536xi32, #tpu.memory_space<hbm>> -> memref<128xi32, #tpu.memory_space<hbm>>
      tpu.enqueue_dma source(%dma_start3A_238 : memref<128xi32, #tpu.memory_space<hbm>>) target(%arg5 : memref<128xi32, #tpu.memory_space<vmem>>) target_semaphore(%run_scoped3A : memref<!tpu.dma_semaphore, #tpu.memory_space<semaphore_mem>>)
      %dma_wait3A_239 = tpu.memref_slice %arg3[%add3A_152] : memref<65536xi32, #tpu.memory_space<hbm>> -> memref<128xi32, #tpu.memory_space<hbm>>
      %dma_wait3A_240 = tpu.memref_slice %arg3[%add3A_152] : memref<65536xi32, #tpu.memory_space<hbm>> -> memref<128xi32, #tpu.memory_space<hbm>>
      tpu.wait_dma2 semaphore(%run_scoped3A : memref<!tpu.dma_semaphore, #tpu.memory_space<semaphore_mem>>) src(%dma_wait3A_240 : memref<128xi32, #tpu.memory_space<hbm>>) dst(%arg5 : memref<128xi32, #tpu.memory_space<vmem>>)
      tpu.yield
    }) : () -> ()
    %dma_start3A_153 = arith.constant 0 : i32
    %dma_start3A_154 = arith.constant 0 : i32
    %dma_start3A_155 = tpu.memref_slice %arg2[%dma_start3A_153, %dma_start3A_154] : memref<65536x128xf32, #tpu.memory_space<hbm>> -> memref<65536x128xf32, #tpu.memory_space<hbm>>
    tpu.enqueue_indirect_dma source(%dma_start3A_155 : memref<65536x128xf32, #tpu.memory_space<hbm>>) target(%arg6 : memref<128x128xf32, #tpu.memory_space<vmem>>) offsets(%arg5 : memref<128xi32, #tpu.memory_space<vmem>>) semaphore(%arg7 : memref<!tpu.dma_semaphore, #tpu.memory_space<semaphore_mem>>)
    %dma_wait3A_156 = arith.constant 0 : i32
    %dma_wait3A_157 = arith.constant 0 : i32
    %dma_wait3A_158 = tpu.memref_slice %arg2[%dma_wait3A_156, %dma_wait3A_157] : memref<65536x128xf32, #tpu.memory_space<hbm>> -> memref<65536x128xf32, #tpu.memory_space<hbm>>
    tpu.wait_indirect_dma semaphore(%arg7 : memref<!tpu.dma_semaphore, #tpu.memory_space<semaphore_mem>>) src(%dma_wait3A_158 : memref<65536x128xf32, #tpu.memory_space<hbm>>) dst(%arg6 : memref<128x128xf32, #tpu.memory_space<vmem>>)
    "tpu.region"() ({
      %run_scoped3A = tpu.sem_alloc : memref<!tpu.dma_semaphore, #tpu.memory_space<semaphore_mem>>
      %dma_start3A_237 = arith.constant 0 : i32
      %dma_start3A_238 = tpu.memref_slice %arg4[%add3A_152, %dma_start3A_237] : memref<65536x128xf32, #tpu.memory_space<hbm>> -> memref<128x128xf32, #tpu.memory_space<hbm>>
      %dma_start3A_239 = arith.constant 0 : i32
      %dma_start3A_240 = tpu.memref_slice %arg4[%add3A_152, %dma_start3A_239] : memref<65536x128xf32, #tpu.memory_space<hbm>> -> memref<128x128xf32, #tpu.memory_space<hbm>>
      tpu.enqueue_dma source(%arg6 : memref<128x128xf32, #tpu.memory_space<vmem>>) target(%dma_start3A_240 : memref<128x128xf32, #tpu.memory_space<hbm>>) target_semaphore(%run_scoped3A : memref<!tpu.dma_semaphore, #tpu.memory_space<semaphore_mem>>)
      %dma_wait3A_241 = arith.constant 0 : i32
      %dma_wait3A_242 = tpu.memref_slice %arg4[%add3A_152, %dma_wait3A_241] : memref<65536x128xf32, #tpu.memory_space<hbm>> -> memref<128x128xf32, #tpu.memory_space<hbm>>
      %dma_wait3A_243 = arith.constant 0 : i32
      %dma_wait3A_244 = tpu.memref_slice %arg4[%add3A_152, %dma_wait3A_243] : memref<65536x128xf32, #tpu.memory_space<hbm>> -> memref<128x128xf32, #tpu.memory_space<hbm>>
      tpu.wait_dma2 semaphore(%run_scoped3A : memref<!tpu.dma_semaphore, #tpu.memory_space<semaphore_mem>>) src(%arg6 : memref<128x128xf32, #tpu.memory_space<vmem>>) dst(%dma_wait3A_244 : memref<128x128xf32, #tpu.memory_space<hbm>>)
      tpu.yield
    }) : () -> ()
    %mul3A_159 = arith.constant 8192 : i32
    %mul3A_160 = arith.muli %select_n3A, %mul3A_159 : i32
    %mul3A_161 = arith.constant 2048 : i32
    %mul3A_162 = arith.muli %select_n3A_30, %mul3A_161 : i32
    %add3A_163 = arith.addi %mul3A_160, %mul3A_162 : i32
    %add3A_164 = arith.constant 1280 : i32
    %add3A_165 = arith.addi %add3A_163, %add3A_164 : i32
    "tpu.region"() ({
      %run_scoped3A = tpu.sem_alloc : memref<!tpu.dma_semaphore, #tpu.memory_space<semaphore_mem>>
      %dma_start3A_237 = tpu.memref_slice %arg3[%add3A_165] : memref<65536xi32, #tpu.memory_space<hbm>> -> memref<128xi32, #tpu.memory_space<hbm>>
      %dma_start3A_238 = tpu.memref_slice %arg3[%add3A_165] : memref<65536xi32, #tpu.memory_space<hbm>> -> memref<128xi32, #tpu.memory_space<hbm>>
      tpu.enqueue_dma source(%dma_start3A_238 : memref<128xi32, #tpu.memory_space<hbm>>) target(%arg5 : memref<128xi32, #tpu.memory_space<vmem>>) target_semaphore(%run_scoped3A : memref<!tpu.dma_semaphore, #tpu.memory_space<semaphore_mem>>)
      %dma_wait3A_239 = tpu.memref_slice %arg3[%add3A_165] : memref<65536xi32, #tpu.memory_space<hbm>> -> memref<128xi32, #tpu.memory_space<hbm>>
      %dma_wait3A_240 = tpu.memref_slice %arg3[%add3A_165] : memref<65536xi32, #tpu.memory_space<hbm>> -> memref<128xi32, #tpu.memory_space<hbm>>
      tpu.wait_dma2 semaphore(%run_scoped3A : memref<!tpu.dma_semaphore, #tpu.memory_space<semaphore_mem>>) src(%dma_wait3A_240 : memref<128xi32, #tpu.memory_space<hbm>>) dst(%arg5 : memref<128xi32, #tpu.memory_space<vmem>>)
      tpu.yield
    }) : () -> ()
    %dma_start3A_166 = arith.constant 0 : i32
    %dma_start3A_167 = arith.constant 0 : i32
    %dma_start3A_168 = tpu.memref_slice %arg2[%dma_start3A_166, %dma_start3A_167] : memref<65536x128xf32, #tpu.memory_space<hbm>> -> memref<65536x128xf32, #tpu.memory_space<hbm>>
    tpu.enqueue_indirect_dma source(%dma_start3A_168 : memref<65536x128xf32, #tpu.memory_space<hbm>>) target(%arg6 : memref<128x128xf32, #tpu.memory_space<vmem>>) offsets(%arg5 : memref<128xi32, #tpu.memory_space<vmem>>) semaphore(%arg7 : memref<!tpu.dma_semaphore, #tpu.memory_space<semaphore_mem>>)
    %dma_wait3A_169 = arith.constant 0 : i32
    %dma_wait3A_170 = arith.constant 0 : i32
    %dma_wait3A_171 = tpu.memref_slice %arg2[%dma_wait3A_169, %dma_wait3A_170] : memref<65536x128xf32, #tpu.memory_space<hbm>> -> memref<65536x128xf32, #tpu.memory_space<hbm>>
    tpu.wait_indirect_dma semaphore(%arg7 : memref<!tpu.dma_semaphore, #tpu.memory_space<semaphore_mem>>) src(%dma_wait3A_171 : memref<65536x128xf32, #tpu.memory_space<hbm>>) dst(%arg6 : memref<128x128xf32, #tpu.memory_space<vmem>>)
    "tpu.region"() ({
      %run_scoped3A = tpu.sem_alloc : memref<!tpu.dma_semaphore, #tpu.memory_space<semaphore_mem>>
      %dma_start3A_237 = arith.constant 0 : i32
      %dma_start3A_238 = tpu.memref_slice %arg4[%add3A_165, %dma_start3A_237] : memref<65536x128xf32, #tpu.memory_space<hbm>> -> memref<128x128xf32, #tpu.memory_space<hbm>>
      %dma_start3A_239 = arith.constant 0 : i32
      %dma_start3A_240 = tpu.memref_slice %arg4[%add3A_165, %dma_start3A_239] : memref<65536x128xf32, #tpu.memory_space<hbm>> -> memref<128x128xf32, #tpu.memory_space<hbm>>
      tpu.enqueue_dma source(%arg6 : memref<128x128xf32, #tpu.memory_space<vmem>>) target(%dma_start3A_240 : memref<128x128xf32, #tpu.memory_space<hbm>>) target_semaphore(%run_scoped3A : memref<!tpu.dma_semaphore, #tpu.memory_space<semaphore_mem>>)
      %dma_wait3A_241 = arith.constant 0 : i32
      %dma_wait3A_242 = tpu.memref_slice %arg4[%add3A_165, %dma_wait3A_241] : memref<65536x128xf32, #tpu.memory_space<hbm>> -> memref<128x128xf32, #tpu.memory_space<hbm>>
      %dma_wait3A_243 = arith.constant 0 : i32
      %dma_wait3A_244 = tpu.memref_slice %arg4[%add3A_165, %dma_wait3A_243] : memref<65536x128xf32, #tpu.memory_space<hbm>> -> memref<128x128xf32, #tpu.memory_space<hbm>>
      tpu.wait_dma2 semaphore(%run_scoped3A : memref<!tpu.dma_semaphore, #tpu.memory_space<semaphore_mem>>) src(%arg6 : memref<128x128xf32, #tpu.memory_space<vmem>>) dst(%dma_wait3A_244 : memref<128x128xf32, #tpu.memory_space<hbm>>)
      tpu.yield
    }) : () -> ()
    %mul3A_172 = arith.constant 8192 : i32
    %mul3A_173 = arith.muli %select_n3A, %mul3A_172 : i32
    %mul3A_174 = arith.constant 2048 : i32
    %mul3A_175 = arith.muli %select_n3A_30, %mul3A_174 : i32
    %add3A_176 = arith.addi %mul3A_173, %mul3A_175 : i32
    %add3A_177 = arith.constant 1408 : i32
    %add3A_178 = arith.addi %add3A_176, %add3A_177 : i32
    "tpu.region"() ({
      %run_scoped3A = tpu.sem_alloc : memref<!tpu.dma_semaphore, #tpu.memory_space<semaphore_mem>>
      %dma_start3A_237 = tpu.memref_slice %arg3[%add3A_178] : memref<65536xi32, #tpu.memory_space<hbm>> -> memref<128xi32, #tpu.memory_space<hbm>>
      %dma_start3A_238 = tpu.memref_slice %arg3[%add3A_178] : memref<65536xi32, #tpu.memory_space<hbm>> -> memref<128xi32, #tpu.memory_space<hbm>>
      tpu.enqueue_dma source(%dma_start3A_238 : memref<128xi32, #tpu.memory_space<hbm>>) target(%arg5 : memref<128xi32, #tpu.memory_space<vmem>>) target_semaphore(%run_scoped3A : memref<!tpu.dma_semaphore, #tpu.memory_space<semaphore_mem>>)
      %dma_wait3A_239 = tpu.memref_slice %arg3[%add3A_178] : memref<65536xi32, #tpu.memory_space<hbm>> -> memref<128xi32, #tpu.memory_space<hbm>>
      %dma_wait3A_240 = tpu.memref_slice %arg3[%add3A_178] : memref<65536xi32, #tpu.memory_space<hbm>> -> memref<128xi32, #tpu.memory_space<hbm>>
      tpu.wait_dma2 semaphore(%run_scoped3A : memref<!tpu.dma_semaphore, #tpu.memory_space<semaphore_mem>>) src(%dma_wait3A_240 : memref<128xi32, #tpu.memory_space<hbm>>) dst(%arg5 : memref<128xi32, #tpu.memory_space<vmem>>)
      tpu.yield
    }) : () -> ()
    %dma_start3A_179 = arith.constant 0 : i32
    %dma_start3A_180 = arith.constant 0 : i32
    %dma_start3A_181 = tpu.memref_slice %arg2[%dma_start3A_179, %dma_start3A_180] : memref<65536x128xf32, #tpu.memory_space<hbm>> -> memref<65536x128xf32, #tpu.memory_space<hbm>>
    tpu.enqueue_indirect_dma source(%dma_start3A_181 : memref<65536x128xf32, #tpu.memory_space<hbm>>) target(%arg6 : memref<128x128xf32, #tpu.memory_space<vmem>>) offsets(%arg5 : memref<128xi32, #tpu.memory_space<vmem>>) semaphore(%arg7 : memref<!tpu.dma_semaphore, #tpu.memory_space<semaphore_mem>>)
    %dma_wait3A_182 = arith.constant 0 : i32
    %dma_wait3A_183 = arith.constant 0 : i32
    %dma_wait3A_184 = tpu.memref_slice %arg2[%dma_wait3A_182, %dma_wait3A_183] : memref<65536x128xf32, #tpu.memory_space<hbm>> -> memref<65536x128xf32, #tpu.memory_space<hbm>>
    tpu.wait_indirect_dma semaphore(%arg7 : memref<!tpu.dma_semaphore, #tpu.memory_space<semaphore_mem>>) src(%dma_wait3A_184 : memref<65536x128xf32, #tpu.memory_space<hbm>>) dst(%arg6 : memref<128x128xf32, #tpu.memory_space<vmem>>)
    "tpu.region"() ({
      %run_scoped3A = tpu.sem_alloc : memref<!tpu.dma_semaphore, #tpu.memory_space<semaphore_mem>>
      %dma_start3A_237 = arith.constant 0 : i32
      %dma_start3A_238 = tpu.memref_slice %arg4[%add3A_178, %dma_start3A_237] : memref<65536x128xf32, #tpu.memory_space<hbm>> -> memref<128x128xf32, #tpu.memory_space<hbm>>
      %dma_start3A_239 = arith.constant 0 : i32
      %dma_start3A_240 = tpu.memref_slice %arg4[%add3A_178, %dma_start3A_239] : memref<65536x128xf32, #tpu.memory_space<hbm>> -> memref<128x128xf32, #tpu.memory_space<hbm>>
      tpu.enqueue_dma source(%arg6 : memref<128x128xf32, #tpu.memory_space<vmem>>) target(%dma_start3A_240 : memref<128x128xf32, #tpu.memory_space<hbm>>) target_semaphore(%run_scoped3A : memref<!tpu.dma_semaphore, #tpu.memory_space<semaphore_mem>>)
      %dma_wait3A_241 = arith.constant 0 : i32
      %dma_wait3A_242 = tpu.memref_slice %arg4[%add3A_178, %dma_wait3A_241] : memref<65536x128xf32, #tpu.memory_space<hbm>> -> memref<128x128xf32, #tpu.memory_space<hbm>>
      %dma_wait3A_243 = arith.constant 0 : i32
      %dma_wait3A_244 = tpu.memref_slice %arg4[%add3A_178, %dma_wait3A_243] : memref<65536x128xf32, #tpu.memory_space<hbm>> -> memref<128x128xf32, #tpu.memory_space<hbm>>
      tpu.wait_dma2 semaphore(%run_scoped3A : memref<!tpu.dma_semaphore, #tpu.memory_space<semaphore_mem>>) src(%arg6 : memref<128x128xf32, #tpu.memory_space<vmem>>) dst(%dma_wait3A_244 : memref<128x128xf32, #tpu.memory_space<hbm>>)
      tpu.yield
    }) : () -> ()
    %mul3A_185 = arith.constant 8192 : i32
    %mul3A_186 = arith.muli %select_n3A, %mul3A_185 : i32
    %mul3A_187 = arith.constant 2048 : i32
    %mul3A_188 = arith.muli %select_n3A_30, %mul3A_187 : i32
    %add3A_189 = arith.addi %mul3A_186, %mul3A_188 : i32
    %add3A_190 = arith.constant 1536 : i32
    %add3A_191 = arith.addi %add3A_189, %add3A_190 : i32
    "tpu.region"() ({
      %run_scoped3A = tpu.sem_alloc : memref<!tpu.dma_semaphore, #tpu.memory_space<semaphore_mem>>
      %dma_start3A_237 = tpu.memref_slice %arg3[%add3A_191] : memref<65536xi32, #tpu.memory_space<hbm>> -> memref<128xi32, #tpu.memory_space<hbm>>
      %dma_start3A_238 = tpu.memref_slice %arg3[%add3A_191] : memref<65536xi32, #tpu.memory_space<hbm>> -> memref<128xi32, #tpu.memory_space<hbm>>
      tpu.enqueue_dma source(%dma_start3A_238 : memref<128xi32, #tpu.memory_space<hbm>>) target(%arg5 : memref<128xi32, #tpu.memory_space<vmem>>) target_semaphore(%run_scoped3A : memref<!tpu.dma_semaphore, #tpu.memory_space<semaphore_mem>>)
      %dma_wait3A_239 = tpu.memref_slice %arg3[%add3A_191] : memref<65536xi32, #tpu.memory_space<hbm>> -> memref<128xi32, #tpu.memory_space<hbm>>
      %dma_wait3A_240 = tpu.memref_slice %arg3[%add3A_191] : memref<65536xi32, #tpu.memory_space<hbm>> -> memref<128xi32, #tpu.memory_space<hbm>>
      tpu.wait_dma2 semaphore(%run_scoped3A : memref<!tpu.dma_semaphore, #tpu.memory_space<semaphore_mem>>) src(%dma_wait3A_240 : memref<128xi32, #tpu.memory_space<hbm>>) dst(%arg5 : memref<128xi32, #tpu.memory_space<vmem>>)
      tpu.yield
    }) : () -> ()
    %dma_start3A_192 = arith.constant 0 : i32
    %dma_start3A_193 = arith.constant 0 : i32
    %dma_start3A_194 = tpu.memref_slice %arg2[%dma_start3A_192, %dma_start3A_193] : memref<65536x128xf32, #tpu.memory_space<hbm>> -> memref<65536x128xf32, #tpu.memory_space<hbm>>
    tpu.enqueue_indirect_dma source(%dma_start3A_194 : memref<65536x128xf32, #tpu.memory_space<hbm>>) target(%arg6 : memref<128x128xf32, #tpu.memory_space<vmem>>) offsets(%arg5 : memref<128xi32, #tpu.memory_space<vmem>>) semaphore(%arg7 : memref<!tpu.dma_semaphore, #tpu.memory_space<semaphore_mem>>)
    %dma_wait3A_195 = arith.constant 0 : i32
    %dma_wait3A_196 = arith.constant 0 : i32
    %dma_wait3A_197 = tpu.memref_slice %arg2[%dma_wait3A_195, %dma_wait3A_196] : memref<65536x128xf32, #tpu.memory_space<hbm>> -> memref<65536x128xf32, #tpu.memory_space<hbm>>
    tpu.wait_indirect_dma semaphore(%arg7 : memref<!tpu.dma_semaphore, #tpu.memory_space<semaphore_mem>>) src(%dma_wait3A_197 : memref<65536x128xf32, #tpu.memory_space<hbm>>) dst(%arg6 : memref<128x128xf32, #tpu.memory_space<vmem>>)
    "tpu.region"() ({
      %run_scoped3A = tpu.sem_alloc : memref<!tpu.dma_semaphore, #tpu.memory_space<semaphore_mem>>
      %dma_start3A_237 = arith.constant 0 : i32
      %dma_start3A_238 = tpu.memref_slice %arg4[%add3A_191, %dma_start3A_237] : memref<65536x128xf32, #tpu.memory_space<hbm>> -> memref<128x128xf32, #tpu.memory_space<hbm>>
      %dma_start3A_239 = arith.constant 0 : i32
      %dma_start3A_240 = tpu.memref_slice %arg4[%add3A_191, %dma_start3A_239] : memref<65536x128xf32, #tpu.memory_space<hbm>> -> memref<128x128xf32, #tpu.memory_space<hbm>>
      tpu.enqueue_dma source(%arg6 : memref<128x128xf32, #tpu.memory_space<vmem>>) target(%dma_start3A_240 : memref<128x128xf32, #tpu.memory_space<hbm>>) target_semaphore(%run_scoped3A : memref<!tpu.dma_semaphore, #tpu.memory_space<semaphore_mem>>)
      %dma_wait3A_241 = arith.constant 0 : i32
      %dma_wait3A_242 = tpu.memref_slice %arg4[%add3A_191, %dma_wait3A_241] : memref<65536x128xf32, #tpu.memory_space<hbm>> -> memref<128x128xf32, #tpu.memory_space<hbm>>
      %dma_wait3A_243 = arith.constant 0 : i32
      %dma_wait3A_244 = tpu.memref_slice %arg4[%add3A_191, %dma_wait3A_243] : memref<65536x128xf32, #tpu.memory_space<hbm>> -> memref<128x128xf32, #tpu.memory_space<hbm>>
      tpu.wait_dma2 semaphore(%run_scoped3A : memref<!tpu.dma_semaphore, #tpu.memory_space<semaphore_mem>>) src(%arg6 : memref<128x128xf32, #tpu.memory_space<vmem>>) dst(%dma_wait3A_244 : memref<128x128xf32, #tpu.memory_space<hbm>>)
      tpu.yield
    }) : () -> ()
    %mul3A_198 = arith.constant 8192 : i32
    %mul3A_199 = arith.muli %select_n3A, %mul3A_198 : i32
    %mul3A_200 = arith.constant 2048 : i32
    %mul3A_201 = arith.muli %select_n3A_30, %mul3A_200 : i32
    %add3A_202 = arith.addi %mul3A_199, %mul3A_201 : i32
    %add3A_203 = arith.constant 1664 : i32
    %add3A_204 = arith.addi %add3A_202, %add3A_203 : i32
    "tpu.region"() ({
      %run_scoped3A = tpu.sem_alloc : memref<!tpu.dma_semaphore, #tpu.memory_space<semaphore_mem>>
      %dma_start3A_237 = tpu.memref_slice %arg3[%add3A_204] : memref<65536xi32, #tpu.memory_space<hbm>> -> memref<128xi32, #tpu.memory_space<hbm>>
      %dma_start3A_238 = tpu.memref_slice %arg3[%add3A_204] : memref<65536xi32, #tpu.memory_space<hbm>> -> memref<128xi32, #tpu.memory_space<hbm>>
      tpu.enqueue_dma source(%dma_start3A_238 : memref<128xi32, #tpu.memory_space<hbm>>) target(%arg5 : memref<128xi32, #tpu.memory_space<vmem>>) target_semaphore(%run_scoped3A : memref<!tpu.dma_semaphore, #tpu.memory_space<semaphore_mem>>)
      %dma_wait3A_239 = tpu.memref_slice %arg3[%add3A_204] : memref<65536xi32, #tpu.memory_space<hbm>> -> memref<128xi32, #tpu.memory_space<hbm>>
      %dma_wait3A_240 = tpu.memref_slice %arg3[%add3A_204] : memref<65536xi32, #tpu.memory_space<hbm>> -> memref<128xi32, #tpu.memory_space<hbm>>
      tpu.wait_dma2 semaphore(%run_scoped3A : memref<!tpu.dma_semaphore, #tpu.memory_space<semaphore_mem>>) src(%dma_wait3A_240 : memref<128xi32, #tpu.memory_space<hbm>>) dst(%arg5 : memref<128xi32, #tpu.memory_space<vmem>>)
      tpu.yield
    }) : () -> ()
    %dma_start3A_205 = arith.constant 0 : i32
    %dma_start3A_206 = arith.constant 0 : i32
    %dma_start3A_207 = tpu.memref_slice %arg2[%dma_start3A_205, %dma_start3A_206] : memref<65536x128xf32, #tpu.memory_space<hbm>> -> memref<65536x128xf32, #tpu.memory_space<hbm>>
    tpu.enqueue_indirect_dma source(%dma_start3A_207 : memref<65536x128xf32, #tpu.memory_space<hbm>>) target(%arg6 : memref<128x128xf32, #tpu.memory_space<vmem>>) offsets(%arg5 : memref<128xi32, #tpu.memory_space<vmem>>) semaphore(%arg7 : memref<!tpu.dma_semaphore, #tpu.memory_space<semaphore_mem>>)
    %dma_wait3A_208 = arith.constant 0 : i32
    %dma_wait3A_209 = arith.constant 0 : i32
    %dma_wait3A_210 = tpu.memref_slice %arg2[%dma_wait3A_208, %dma_wait3A_209] : memref<65536x128xf32, #tpu.memory_space<hbm>> -> memref<65536x128xf32, #tpu.memory_space<hbm>>
    tpu.wait_indirect_dma semaphore(%arg7 : memref<!tpu.dma_semaphore, #tpu.memory_space<semaphore_mem>>) src(%dma_wait3A_210 : memref<65536x128xf32, #tpu.memory_space<hbm>>) dst(%arg6 : memref<128x128xf32, #tpu.memory_space<vmem>>)
    "tpu.region"() ({
      %run_scoped3A = tpu.sem_alloc : memref<!tpu.dma_semaphore, #tpu.memory_space<semaphore_mem>>
      %dma_start3A_237 = arith.constant 0 : i32
      %dma_start3A_238 = tpu.memref_slice %arg4[%add3A_204, %dma_start3A_237] : memref<65536x128xf32, #tpu.memory_space<hbm>> -> memref<128x128xf32, #tpu.memory_space<hbm>>
      %dma_start3A_239 = arith.constant 0 : i32
      %dma_start3A_240 = tpu.memref_slice %arg4[%add3A_204, %dma_start3A_239] : memref<65536x128xf32, #tpu.memory_space<hbm>> -> memref<128x128xf32, #tpu.memory_space<hbm>>
      tpu.enqueue_dma source(%arg6 : memref<128x128xf32, #tpu.memory_space<vmem>>) target(%dma_start3A_240 : memref<128x128xf32, #tpu.memory_space<hbm>>) target_semaphore(%run_scoped3A : memref<!tpu.dma_semaphore, #tpu.memory_space<semaphore_mem>>)
      %dma_wait3A_241 = arith.constant 0 : i32
      %dma_wait3A_242 = tpu.memref_slice %arg4[%add3A_204, %dma_wait3A_241] : memref<65536x128xf32, #tpu.memory_space<hbm>> -> memref<128x128xf32, #tpu.memory_space<hbm>>
      %dma_wait3A_243 = arith.constant 0 : i32
      %dma_wait3A_244 = tpu.memref_slice %arg4[%add3A_204, %dma_wait3A_243] : memref<65536x128xf32, #tpu.memory_space<hbm>> -> memref<128x128xf32, #tpu.memory_space<hbm>>
      tpu.wait_dma2 semaphore(%run_scoped3A : memref<!tpu.dma_semaphore, #tpu.memory_space<semaphore_mem>>) src(%arg6 : memref<128x128xf32, #tpu.memory_space<vmem>>) dst(%dma_wait3A_244 : memref<128x128xf32, #tpu.memory_space<hbm>>)
      tpu.yield
    }) : () -> ()
    %mul3A_211 = arith.constant 8192 : i32
    %mul3A_212 = arith.muli %select_n3A, %mul3A_211 : i32
    %mul3A_213 = arith.constant 2048 : i32
    %mul3A_214 = arith.muli %select_n3A_30, %mul3A_213 : i32
    %add3A_215 = arith.addi %mul3A_212, %mul3A_214 : i32
    %add3A_216 = arith.constant 1792 : i32
    %add3A_217 = arith.addi %add3A_215, %add3A_216 : i32
    "tpu.region"() ({
      %run_scoped3A = tpu.sem_alloc : memref<!tpu.dma_semaphore, #tpu.memory_space<semaphore_mem>>
      %dma_start3A_237 = tpu.memref_slice %arg3[%add3A_217] : memref<65536xi32, #tpu.memory_space<hbm>> -> memref<128xi32, #tpu.memory_space<hbm>>
      %dma_start3A_238 = tpu.memref_slice %arg3[%add3A_217] : memref<65536xi32, #tpu.memory_space<hbm>> -> memref<128xi32, #tpu.memory_space<hbm>>
      tpu.enqueue_dma source(%dma_start3A_238 : memref<128xi32, #tpu.memory_space<hbm>>) target(%arg5 : memref<128xi32, #tpu.memory_space<vmem>>) target_semaphore(%run_scoped3A : memref<!tpu.dma_semaphore, #tpu.memory_space<semaphore_mem>>)
      %dma_wait3A_239 = tpu.memref_slice %arg3[%add3A_217] : memref<65536xi32, #tpu.memory_space<hbm>> -> memref<128xi32, #tpu.memory_space<hbm>>
      %dma_wait3A_240 = tpu.memref_slice %arg3[%add3A_217] : memref<65536xi32, #tpu.memory_space<hbm>> -> memref<128xi32, #tpu.memory_space<hbm>>
      tpu.wait_dma2 semaphore(%run_scoped3A : memref<!tpu.dma_semaphore, #tpu.memory_space<semaphore_mem>>) src(%dma_wait3A_240 : memref<128xi32, #tpu.memory_space<hbm>>) dst(%arg5 : memref<128xi32, #tpu.memory_space<vmem>>)
      tpu.yield
    }) : () -> ()
    %dma_start3A_218 = arith.constant 0 : i32
    %dma_start3A_219 = arith.constant 0 : i32
    %dma_start3A_220 = tpu.memref_slice %arg2[%dma_start3A_218, %dma_start3A_219] : memref<65536x128xf32, #tpu.memory_space<hbm>> -> memref<65536x128xf32, #tpu.memory_space<hbm>>
    tpu.enqueue_indirect_dma source(%dma_start3A_220 : memref<65536x128xf32, #tpu.memory_space<hbm>>) target(%arg6 : memref<128x128xf32, #tpu.memory_space<vmem>>) offsets(%arg5 : memref<128xi32, #tpu.memory_space<vmem>>) semaphore(%arg7 : memref<!tpu.dma_semaphore, #tpu.memory_space<semaphore_mem>>)
    %dma_wait3A_221 = arith.constant 0 : i32
    %dma_wait3A_222 = arith.constant 0 : i32
    %dma_wait3A_223 = tpu.memref_slice %arg2[%dma_wait3A_221, %dma_wait3A_222] : memref<65536x128xf32, #tpu.memory_space<hbm>> -> memref<65536x128xf32, #tpu.memory_space<hbm>>
    tpu.wait_indirect_dma semaphore(%arg7 : memref<!tpu.dma_semaphore, #tpu.memory_space<semaphore_mem>>) src(%dma_wait3A_223 : memref<65536x128xf32, #tpu.memory_space<hbm>>) dst(%arg6 : memref<128x128xf32, #tpu.memory_space<vmem>>)
    "tpu.region"() ({
      %run_scoped3A = tpu.sem_alloc : memref<!tpu.dma_semaphore, #tpu.memory_space<semaphore_mem>>
      %dma_start3A_237 = arith.constant 0 : i32
      %dma_start3A_238 = tpu.memref_slice %arg4[%add3A_217, %dma_start3A_237] : memref<65536x128xf32, #tpu.memory_space<hbm>> -> memref<128x128xf32, #tpu.memory_space<hbm>>
      %dma_start3A_239 = arith.constant 0 : i32
      %dma_start3A_240 = tpu.memref_slice %arg4[%add3A_217, %dma_start3A_239] : memref<65536x128xf32, #tpu.memory_space<hbm>> -> memref<128x128xf32, #tpu.memory_space<hbm>>
      tpu.enqueue_dma source(%arg6 : memref<128x128xf32, #tpu.memory_space<vmem>>) target(%dma_start3A_240 : memref<128x128xf32, #tpu.memory_space<hbm>>) target_semaphore(%run_scoped3A : memref<!tpu.dma_semaphore, #tpu.memory_space<semaphore_mem>>)
      %dma_wait3A_241 = arith.constant 0 : i32
      %dma_wait3A_242 = tpu.memref_slice %arg4[%add3A_217, %dma_wait3A_241] : memref<65536x128xf32, #tpu.memory_space<hbm>> -> memref<128x128xf32, #tpu.memory_space<hbm>>
      %dma_wait3A_243 = arith.constant 0 : i32
      %dma_wait3A_244 = tpu.memref_slice %arg4[%add3A_217, %dma_wait3A_243] : memref<65536x128xf32, #tpu.memory_space<hbm>> -> memref<128x128xf32, #tpu.memory_space<hbm>>
      tpu.wait_dma2 semaphore(%run_scoped3A : memref<!tpu.dma_semaphore, #tpu.memory_space<semaphore_mem>>) src(%arg6 : memref<128x128xf32, #tpu.memory_space<vmem>>) dst(%dma_wait3A_244 : memref<128x128xf32, #tpu.memory_space<hbm>>)
      tpu.yield
    }) : () -> ()
    %mul3A_224 = arith.constant 8192 : i32
    %mul3A_225 = arith.muli %select_n3A, %mul3A_224 : i32
    %mul3A_226 = arith.constant 2048 : i32
    %mul3A_227 = arith.muli %select_n3A_30, %mul3A_226 : i32
    %add3A_228 = arith.addi %mul3A_225, %mul3A_227 : i32
    %add3A_229 = arith.constant 1920 : i32
    %add3A_230 = arith.addi %add3A_228, %add3A_229 : i32
    "tpu.region"() ({
      %run_scoped3A = tpu.sem_alloc : memref<!tpu.dma_semaphore, #tpu.memory_space<semaphore_mem>>
      %dma_start3A_237 = tpu.memref_slice %arg3[%add3A_230] : memref<65536xi32, #tpu.memory_space<hbm>> -> memref<128xi32, #tpu.memory_space<hbm>>
      %dma_start3A_238 = tpu.memref_slice %arg3[%add3A_230] : memref<65536xi32, #tpu.memory_space<hbm>> -> memref<128xi32, #tpu.memory_space<hbm>>
      tpu.enqueue_dma source(%dma_start3A_238 : memref<128xi32, #tpu.memory_space<hbm>>) target(%arg5 : memref<128xi32, #tpu.memory_space<vmem>>) target_semaphore(%run_scoped3A : memref<!tpu.dma_semaphore, #tpu.memory_space<semaphore_mem>>)
      %dma_wait3A_239 = tpu.memref_slice %arg3[%add3A_230] : memref<65536xi32, #tpu.memory_space<hbm>> -> memref<128xi32, #tpu.memory_space<hbm>>
      %dma_wait3A_240 = tpu.memref_slice %arg3[%add3A_230] : memref<65536xi32, #tpu.memory_space<hbm>> -> memref<128xi32, #tpu.memory_space<hbm>>
      tpu.wait_dma2 semaphore(%run_scoped3A : memref<!tpu.dma_semaphore, #tpu.memory_space<semaphore_mem>>) src(%dma_wait3A_240 : memref<128xi32, #tpu.memory_space<hbm>>) dst(%arg5 : memref<128xi32, #tpu.memory_space<vmem>>)
      tpu.yield
    }) : () -> ()
    %dma_start3A_231 = arith.constant 0 : i32
    %dma_start3A_232 = arith.constant 0 : i32
    %dma_start3A_233 = tpu.memref_slice %arg2[%dma_start3A_231, %dma_start3A_232] : memref<65536x128xf32, #tpu.memory_space<hbm>> -> memref<65536x128xf32, #tpu.memory_space<hbm>>
    tpu.enqueue_indirect_dma source(%dma_start3A_233 : memref<65536x128xf32, #tpu.memory_space<hbm>>) target(%arg6 : memref<128x128xf32, #tpu.memory_space<vmem>>) offsets(%arg5 : memref<128xi32, #tpu.memory_space<vmem>>) semaphore(%arg7 : memref<!tpu.dma_semaphore, #tpu.memory_space<semaphore_mem>>)
    %dma_wait3A_234 = arith.constant 0 : i32
    %dma_wait3A_235 = arith.constant 0 : i32
    %dma_wait3A_236 = tpu.memref_slice %arg2[%dma_wait3A_234, %dma_wait3A_235] : memref<65536x128xf32, #tpu.memory_space<hbm>> -> memref<65536x128xf32, #tpu.memory_space<hbm>>
    tpu.wait_indirect_dma semaphore(%arg7 : memref<!tpu.dma_semaphore, #tpu.memory_space<semaphore_mem>>) src(%dma_wait3A_236 : memref<65536x128xf32, #tpu.memory_space<hbm>>) dst(%arg6 : memref<128x128xf32, #tpu.memory_space<vmem>>)
    "tpu.region"() ({
      %run_scoped3A = tpu.sem_alloc : memref<!tpu.dma_semaphore, #tpu.memory_space<semaphore_mem>>
      %dma_start3A_237 = arith.constant 0 : i32
      %dma_start3A_238 = tpu.memref_slice %arg4[%add3A_230, %dma_start3A_237] : memref<65536x128xf32, #tpu.memory_space<hbm>> -> memref<128x128xf32, #tpu.memory_space<hbm>>
      %dma_start3A_239 = arith.constant 0 : i32
      %dma_start3A_240 = tpu.memref_slice %arg4[%add3A_230, %dma_start3A_239] : memref<65536x128xf32, #tpu.memory_space<hbm>> -> memref<128x128xf32, #tpu.memory_space<hbm>>
      tpu.enqueue_dma source(%arg6 : memref<128x128xf32, #tpu.memory_space<vmem>>) target(%dma_start3A_240 : memref<128x128xf32, #tpu.memory_space<hbm>>) target_semaphore(%run_scoped3A : memref<!tpu.dma_semaphore, #tpu.memory_space<semaphore_mem>>)
      %dma_wait3A_241 = arith.constant 0 : i32
      %dma_wait3A_242 = tpu.memref_slice %arg4[%add3A_230, %dma_wait3A_241] : memref<65536x128xf32, #tpu.memory_space<hbm>> -> memref<128x128xf32, #tpu.memory_space<hbm>>
      %dma_wait3A_243 = arith.constant 0 : i32
      %dma_wait3A_244 = tpu.memref_slice %arg4[%add3A_230, %dma_wait3A_243] : memref<65536x128xf32, #tpu.memory_space<hbm>> -> memref<128x128xf32, #tpu.memory_space<hbm>>
      tpu.wait_dma2 semaphore(%run_scoped3A : memref<!tpu.dma_semaphore, #tpu.memory_space<semaphore_mem>>) src(%arg6 : memref<128x128xf32, #tpu.memory_space<vmem>>) dst(%dma_wait3A_244 : memref<128x128xf32, #tpu.memory_space<hbm>>)
      tpu.yield
    }) : () -> ()
    return
  }
}

module attributes {stable_mosaic.version = 14 : i64} {
  func.func @_pq_argmin_body(%arg0: i32, %arg1: i32, %arg2: memref<1x8192x128xf32, #tpu.memory_space<vmem>>, %arg3: memref<1x512x64xf32, #tpu.memory_space<vmem>>, %arg4: memref<1x1x512xf32, #tpu.memory_space<vmem>>, %arg5: memref<1x1x512xi32, #tpu.memory_space<vmem>>) attributes {dimension_semantics = [#tpu.dimension_semantics<arbitrary>, #tpu.dimension_semantics<arbitrary>], iteration_bounds = array<i64: 8, 16>, scalar_prefetch = 0 : i64, scratch_operands = 0 : i64, tpu.core_type = #tpu.core_type<tc>, window_params = [{transform_indices = @transform_0, window_bounds = array<i64: 1, 8192, 128>}, {transform_indices = @transform_1, window_bounds = array<i64: 1, 512, 64>}, {transform_indices = @transform_2, window_bounds = array<i64: 1, 1, 512>}, {transform_indices = @transform_3, window_bounds = array<i64: 1, 1, 512>}]} {
    %get3A = arith.constant 0 : index
    %get3A_0 = arith.constant 0 : index
    %get3A_1 = arith.constant 0 : index
    %get3A_2 = vector.load %arg3[%get3A, %get3A_0, %get3A_1] : memref<1x512x64xf32, #tpu.memory_space<vmem>>, vector<1x512x64xf32>
    %get3A_3 = vector.shape_cast %get3A_2 : vector<1x512x64xf32> to vector<512x64xf32>
    %get3A_4 = arith.constant 0 : index
    %get3A_5 = arith.constant 0 : index
    %get3A_6 = arith.constant 0 : index
    %get3A_7 = vector.load %arg4[%get3A_4, %get3A_5, %get3A_6] : memref<1x1x512xf32, #tpu.memory_space<vmem>>, vector<1x1x512xf32>
    %get3A_8 = vector.shape_cast %get3A_7 : vector<1x1x512xf32> to vector<1x512xf32>
    %get3A_9 = arith.constant 0 : index
    %get3A_10 = arith.constant 0 : index
    %get3A_11 = arith.constant 0 : index
    %get3A_12 = vector.load %arg2[%get3A_9, %get3A_10, %get3A_11] : memref<1x8192x128xf32, #tpu.memory_space<vmem>>, vector<1x2048x64xf32>
    %get3A_13 = vector.shape_cast %get3A_12 : vector<1x2048x64xf32> to vector<2048x64xf32>
    %get3A_14 = arith.constant 0 : index
    %get3A_15 = arith.constant 0 : index
    %get3A_16 = arith.constant 64 : index
    %get3A_17 = vector.load %arg2[%get3A_14, %get3A_15, %get3A_16] : memref<1x8192x128xf32, #tpu.memory_space<vmem>>, vector<1x2048x1xf32>
    %get3A_18 = vector.shape_cast %get3A_17 : vector<1x2048x1xf32> to vector<2048x1xf32>
    %dot_general3A = arith.constant dense<0.000000e+00> : vector<2048x512xf32>
    %dot_general3A_19 = tpu.matmul %get3A_13, %get3A_3, %dot_general3A {dimension_numbers = #tpu.dot_dimension_numbers<[1], [1], [0], [0], [0, 0, 1, 0], [], []>, transpose_lhs_hint = false} : vector<2048x64xf32>, vector<512x64xf32>, vector<2048x512xf32> -> vector<2048x512xf32>
    %add3A = vector.broadcast %get3A_18 : vector<2048x1xf32> to vector<2048x512xf32>
    %add3A_20 = arith.addf %add3A, %dot_general3A_19 : vector<2048x512xf32>
    %reduce_min3A = arith.constant dense<0x7F800000> : vector<512xf32>
    %reduce_min3A_21 = vector.multi_reduction <minimumf>, %add3A_20, %reduce_min3A [0] : vector<2048x512xf32> to vector<512xf32>
    %broadcast_in_dim3A = vector.shape_cast %reduce_min3A_21 : vector<512xf32> to vector<1x512xf32>
    %iota3A = tpu.iota {dimensions = array<i32: 0>} : vector<2048x512xi32>
    %eq3A = vector.broadcast %broadcast_in_dim3A : vector<1x512xf32> to vector<2048x512xf32>
    %eq3A_22 = arith.cmpf oeq, %add3A_20, %eq3A : vector<2048x512xf32>
    %jit3A = arith.constant 2048 : i32
    %broadcast_in_dim3A_23 = vector.broadcast %jit3A : i32 to vector<2048x512xi32>
    %select_n3A = arith.select %eq3A_22, %iota3A, %broadcast_in_dim3A_23 : vector<2048x512xi1>, vector<2048x512xi32>
    %reduce_min3A_24 = arith.constant dense<2147483647> : vector<512xi32>
    %reduce_min3A_25 = vector.multi_reduction <minsi>, %select_n3A, %reduce_min3A_24 [0] : vector<2048x512xi32> to vector<512xi32>
    %broadcast_in_dim3A_26 = vector.shape_cast %reduce_min3A_25 : vector<512xi32> to vector<1x512xi32>
    %add3A_27 = arith.constant 0 : i32
    %add3A_28 = vector.broadcast %add3A_27 : i32 to vector<1x512xi32>
    %add3A_29 = arith.addi %broadcast_in_dim3A_26, %add3A_28 : vector<1x512xi32>
    %get3A_30 = arith.constant 0 : index
    %get3A_31 = arith.constant 2048 : index
    %get3A_32 = arith.constant 0 : index
    %get3A_33 = vector.load %arg2[%get3A_30, %get3A_31, %get3A_32] : memref<1x8192x128xf32, #tpu.memory_space<vmem>>, vector<1x2048x64xf32>
    %get3A_34 = vector.shape_cast %get3A_33 : vector<1x2048x64xf32> to vector<2048x64xf32>
    %get3A_35 = arith.constant 0 : index
    %get3A_36 = arith.constant 2048 : index
    %get3A_37 = arith.constant 64 : index
    %get3A_38 = vector.load %arg2[%get3A_35, %get3A_36, %get3A_37] : memref<1x8192x128xf32, #tpu.memory_space<vmem>>, vector<1x2048x1xf32>
    %get3A_39 = vector.shape_cast %get3A_38 : vector<1x2048x1xf32> to vector<2048x1xf32>
    %dot_general3A_40 = arith.constant dense<0.000000e+00> : vector<2048x512xf32>
    %dot_general3A_41 = tpu.matmul %get3A_34, %get3A_3, %dot_general3A_40 {dimension_numbers = #tpu.dot_dimension_numbers<[1], [1], [0], [0], [0, 0, 1, 0], [], []>, transpose_lhs_hint = false} : vector<2048x64xf32>, vector<512x64xf32>, vector<2048x512xf32> -> vector<2048x512xf32>
    %add3A_42 = vector.broadcast %get3A_39 : vector<2048x1xf32> to vector<2048x512xf32>
    %add3A_43 = arith.addf %add3A_42, %dot_general3A_41 : vector<2048x512xf32>
    %reduce_min3A_44 = arith.constant dense<0x7F800000> : vector<512xf32>
    %reduce_min3A_45 = vector.multi_reduction <minimumf>, %add3A_43, %reduce_min3A_44 [0] : vector<2048x512xf32> to vector<512xf32>
    %broadcast_in_dim3A_46 = vector.shape_cast %reduce_min3A_45 : vector<512xf32> to vector<1x512xf32>
    %iota3A_47 = tpu.iota {dimensions = array<i32: 0>} : vector<2048x512xi32>
    %eq3A_48 = vector.broadcast %broadcast_in_dim3A_46 : vector<1x512xf32> to vector<2048x512xf32>
    %eq3A_49 = arith.cmpf oeq, %add3A_43, %eq3A_48 : vector<2048x512xf32>
    %jit3A_50 = arith.constant 2048 : i32
    %broadcast_in_dim3A_51 = vector.broadcast %jit3A_50 : i32 to vector<2048x512xi32>
    %select_n3A_52 = arith.select %eq3A_49, %iota3A_47, %broadcast_in_dim3A_51 : vector<2048x512xi1>, vector<2048x512xi32>
    %reduce_min3A_53 = arith.constant dense<2147483647> : vector<512xi32>
    %reduce_min3A_54 = vector.multi_reduction <minsi>, %select_n3A_52, %reduce_min3A_53 [0] : vector<2048x512xi32> to vector<512xi32>
    %broadcast_in_dim3A_55 = vector.shape_cast %reduce_min3A_54 : vector<512xi32> to vector<1x512xi32>
    %add3A_56 = arith.constant 2048 : i32
    %add3A_57 = vector.broadcast %add3A_56 : i32 to vector<1x512xi32>
    %add3A_58 = arith.addi %broadcast_in_dim3A_55, %add3A_57 : vector<1x512xi32>
    %lt3A = arith.cmpf olt, %broadcast_in_dim3A_46, %broadcast_in_dim3A : vector<1x512xf32>
    %select_n3A_59 = arith.select %lt3A, %broadcast_in_dim3A_46, %broadcast_in_dim3A : vector<1x512xi1>, vector<1x512xf32>
    %select_n3A_60 = arith.select %lt3A, %add3A_58, %add3A_29 : vector<1x512xi1>, vector<1x512xi32>
    %get3A_61 = arith.constant 0 : index
    %get3A_62 = arith.constant 4096 : index
    %get3A_63 = arith.constant 0 : index
    %get3A_64 = vector.load %arg2[%get3A_61, %get3A_62, %get3A_63] : memref<1x8192x128xf32, #tpu.memory_space<vmem>>, vector<1x2048x64xf32>
    %get3A_65 = vector.shape_cast %get3A_64 : vector<1x2048x64xf32> to vector<2048x64xf32>
    %get3A_66 = arith.constant 0 : index
    %get3A_67 = arith.constant 4096 : index
    %get3A_68 = arith.constant 64 : index
    %get3A_69 = vector.load %arg2[%get3A_66, %get3A_67, %get3A_68] : memref<1x8192x128xf32, #tpu.memory_space<vmem>>, vector<1x2048x1xf32>
    %get3A_70 = vector.shape_cast %get3A_69 : vector<1x2048x1xf32> to vector<2048x1xf32>
    %dot_general3A_71 = arith.constant dense<0.000000e+00> : vector<2048x512xf32>
    %dot_general3A_72 = tpu.matmul %get3A_65, %get3A_3, %dot_general3A_71 {dimension_numbers = #tpu.dot_dimension_numbers<[1], [1], [0], [0], [0, 0, 1, 0], [], []>, transpose_lhs_hint = false} : vector<2048x64xf32>, vector<512x64xf32>, vector<2048x512xf32> -> vector<2048x512xf32>
    %add3A_73 = vector.broadcast %get3A_70 : vector<2048x1xf32> to vector<2048x512xf32>
    %add3A_74 = arith.addf %add3A_73, %dot_general3A_72 : vector<2048x512xf32>
    %reduce_min3A_75 = arith.constant dense<0x7F800000> : vector<512xf32>
    %reduce_min3A_76 = vector.multi_reduction <minimumf>, %add3A_74, %reduce_min3A_75 [0] : vector<2048x512xf32> to vector<512xf32>
    %broadcast_in_dim3A_77 = vector.shape_cast %reduce_min3A_76 : vector<512xf32> to vector<1x512xf32>
    %iota3A_78 = tpu.iota {dimensions = array<i32: 0>} : vector<2048x512xi32>
    %eq3A_79 = vector.broadcast %broadcast_in_dim3A_77 : vector<1x512xf32> to vector<2048x512xf32>
    %eq3A_80 = arith.cmpf oeq, %add3A_74, %eq3A_79 : vector<2048x512xf32>
    %jit3A_81 = arith.constant 2048 : i32
    %broadcast_in_dim3A_82 = vector.broadcast %jit3A_81 : i32 to vector<2048x512xi32>
    %select_n3A_83 = arith.select %eq3A_80, %iota3A_78, %broadcast_in_dim3A_82 : vector<2048x512xi1>, vector<2048x512xi32>
    %reduce_min3A_84 = arith.constant dense<2147483647> : vector<512xi32>
    %reduce_min3A_85 = vector.multi_reduction <minsi>, %select_n3A_83, %reduce_min3A_84 [0] : vector<2048x512xi32> to vector<512xi32>
    %broadcast_in_dim3A_86 = vector.shape_cast %reduce_min3A_85 : vector<512xi32> to vector<1x512xi32>
    %add3A_87 = arith.constant 4096 : i32
    %add3A_88 = vector.broadcast %add3A_87 : i32 to vector<1x512xi32>
    %add3A_89 = arith.addi %broadcast_in_dim3A_86, %add3A_88 : vector<1x512xi32>
    %get3A_90 = arith.constant 0 : index
    %get3A_91 = arith.constant 6144 : index
    %get3A_92 = arith.constant 0 : index
    %get3A_93 = vector.load %arg2[%get3A_90, %get3A_91, %get3A_92] : memref<1x8192x128xf32, #tpu.memory_space<vmem>>, vector<1x2048x64xf32>
    %get3A_94 = vector.shape_cast %get3A_93 : vector<1x2048x64xf32> to vector<2048x64xf32>
    %get3A_95 = arith.constant 0 : index
    %get3A_96 = arith.constant 6144 : index
    %get3A_97 = arith.constant 64 : index
    %get3A_98 = vector.load %arg2[%get3A_95, %get3A_96, %get3A_97] : memref<1x8192x128xf32, #tpu.memory_space<vmem>>, vector<1x2048x1xf32>
    %get3A_99 = vector.shape_cast %get3A_98 : vector<1x2048x1xf32> to vector<2048x1xf32>
    %dot_general3A_100 = arith.constant dense<0.000000e+00> : vector<2048x512xf32>
    %dot_general3A_101 = tpu.matmul %get3A_94, %get3A_3, %dot_general3A_100 {dimension_numbers = #tpu.dot_dimension_numbers<[1], [1], [0], [0], [0, 0, 1, 0], [], []>, transpose_lhs_hint = false} : vector<2048x64xf32>, vector<512x64xf32>, vector<2048x512xf32> -> vector<2048x512xf32>
    %add3A_102 = vector.broadcast %get3A_99 : vector<2048x1xf32> to vector<2048x512xf32>
    %add3A_103 = arith.addf %add3A_102, %dot_general3A_101 : vector<2048x512xf32>
    %reduce_min3A_104 = arith.constant dense<0x7F800000> : vector<512xf32>
    %reduce_min3A_105 = vector.multi_reduction <minimumf>, %add3A_103, %reduce_min3A_104 [0] : vector<2048x512xf32> to vector<512xf32>
    %broadcast_in_dim3A_106 = vector.shape_cast %reduce_min3A_105 : vector<512xf32> to vector<1x512xf32>
    %iota3A_107 = tpu.iota {dimensions = array<i32: 0>} : vector<2048x512xi32>
    %eq3A_108 = vector.broadcast %broadcast_in_dim3A_106 : vector<1x512xf32> to vector<2048x512xf32>
    %eq3A_109 = arith.cmpf oeq, %add3A_103, %eq3A_108 : vector<2048x512xf32>
    %jit3A_110 = arith.constant 2048 : i32
    %broadcast_in_dim3A_111 = vector.broadcast %jit3A_110 : i32 to vector<2048x512xi32>
    %select_n3A_112 = arith.select %eq3A_109, %iota3A_107, %broadcast_in_dim3A_111 : vector<2048x512xi1>, vector<2048x512xi32>
    %reduce_min3A_113 = arith.constant dense<2147483647> : vector<512xi32>
    %reduce_min3A_114 = vector.multi_reduction <minsi>, %select_n3A_112, %reduce_min3A_113 [0] : vector<2048x512xi32> to vector<512xi32>
    %broadcast_in_dim3A_115 = vector.shape_cast %reduce_min3A_114 : vector<512xi32> to vector<1x512xi32>
    %add3A_116 = arith.constant 6144 : i32
    %add3A_117 = vector.broadcast %add3A_116 : i32 to vector<1x512xi32>
    %add3A_118 = arith.addi %broadcast_in_dim3A_115, %add3A_117 : vector<1x512xi32>
    %lt3A_119 = arith.cmpf olt, %broadcast_in_dim3A_106, %broadcast_in_dim3A_77 : vector<1x512xf32>
    %select_n3A_120 = arith.select %lt3A_119, %broadcast_in_dim3A_106, %broadcast_in_dim3A_77 : vector<1x512xi1>, vector<1x512xf32>
    %select_n3A_121 = arith.select %lt3A_119, %add3A_118, %add3A_89 : vector<1x512xi1>, vector<1x512xi32>
    %add3A_122 = arith.addf %get3A_8, %select_n3A_59 : vector<1x512xf32>
    %max3A = arith.constant 0.000000e+00 : f32
    %max3A_123 = vector.broadcast %max3A : f32 to vector<1x512xf32>
    %max3A_124 = arith.maximumf %add3A_122, %max3A_123 : vector<1x512xf32>
    %sqrt3A = math.sqrt %max3A_124 : vector<1x512xf32>
    %add3A_125 = arith.addf %get3A_8, %select_n3A_120 : vector<1x512xf32>
    %max3A_126 = arith.constant 0.000000e+00 : f32
    %max3A_127 = vector.broadcast %max3A_126 : f32 to vector<1x512xf32>
    %max3A_128 = arith.maximumf %add3A_125, %max3A_127 : vector<1x512xf32>
    %sqrt3A_129 = math.sqrt %max3A_128 : vector<1x512xf32>
    %bitcast_convert_type3A = tpu.bitcast %sqrt3A : vector<1x512xf32> -> vector<1x512xi32>
    %add3A_130 = arith.constant 32767 : i32
    %add3A_131 = vector.broadcast %add3A_130 : i32 to vector<1x512xi32>
    %add3A_132 = arith.addi %bitcast_convert_type3A, %add3A_131 : vector<1x512xi32>
    %shift_right_logical3A = arith.constant 16 : i32
    %shift_right_logical3A_133 = vector.broadcast %shift_right_logical3A : i32 to vector<1x512xi32>
    %shift_right_logical3A_134 = arith.shrui %bitcast_convert_type3A, %shift_right_logical3A_133 : vector<1x512xi32>
    %and3A = arith.constant 1 : i32
    %and3A_135 = vector.broadcast %and3A : i32 to vector<1x512xi32>
    %and3A_136 = arith.andi %shift_right_logical3A_134, %and3A_135 : vector<1x512xi32>
    %add3A_137 = arith.addi %add3A_132, %and3A_136 : vector<1x512xi32>
    %and3A_138 = arith.constant -65536 : i32
    %and3A_139 = vector.broadcast %and3A_138 : i32 to vector<1x512xi32>
    %and3A_140 = arith.andi %add3A_137, %and3A_139 : vector<1x512xi32>
    %bitcast_convert_type3A_141 = tpu.bitcast %and3A_140 : vector<1x512xi32> -> vector<1x512xf32>
    %lt3A_142 = arith.cmpf olt, %sqrt3A_129, %bitcast_convert_type3A_141 : vector<1x512xf32>
    %select_n3A_143 = arith.select %lt3A_142, %select_n3A_121, %select_n3A_60 : vector<1x512xi1>, vector<1x512xi32>
    %mul3A = arith.constant 8192 : i32
    %mul3A_144 = arith.muli %arg0, %mul3A : i32
    %add3A_145 = vector.broadcast %mul3A_144 : i32 to vector<1x512xi32>
    %add3A_146 = arith.addi %select_n3A_143, %add3A_145 : vector<1x512xi32>
    %swap3A = arith.constant 0 : index
    %swap3A_147 = arith.constant 0 : index
    %swap3A_148 = arith.constant 0 : index
    %swap3A_149 = vector.load %arg5[%swap3A, %swap3A_147, %swap3A_148] : memref<1x1x512xi32, #tpu.memory_space<vmem>>, vector<1x1x512xi32>
    %swap3A_150 = vector.shape_cast %swap3A_149 : vector<1x1x512xi32> to vector<1x512xi32>
    %swap3A_151 = vector.shape_cast %add3A_146 : vector<1x512xi32> to vector<1x1x512xi32>
    tpu.vector_store %arg5[%swap3A, %swap3A_147, %swap3A_148], %swap3A_151 {strides = array<i32>} : memref<1x1x512xi32, #tpu.memory_space<vmem>>, vector<1x1x512xi32>,
    return
  }
  func.func @transform_0(%arg0: i32, %arg1: i32) -> (i32, i32, i32) {
    %c0_i32 = arith.constant 0 : i32
    %c0_i32_0 = arith.constant 0 : i32
    %c0_i32_1 = arith.constant 0 : i32
    return %arg0, %c0_i32, %c0_i32_0 : i32, i32, i32
  }
  func.func @transform_1(%arg0: i32, %arg1: i32) -> (i32, i32, i32) {
    %c0_i32 = arith.constant 0 : i32
    %c0_i32_0 = arith.constant 0 : i32
    return %arg0, %arg1, %c0_i32 : i32, i32, i32
  }
  func.func @transform_2(%arg0: i32, %arg1: i32) -> (i32, i32, i32) {
    %c0_i32 = arith.constant 0 : i32
    %c0_i32_0 = arith.constant 0 : i32
    return %arg0, %c0_i32, %arg1 : i32, i32, i32
  }
  func.func @transform_3(%arg0: i32, %arg1: i32) -> (i32, i32, i32) {
    %c0_i32 = arith.constant 0 : i32
    %c0_i32_0 = arith.constant 0 : i32
    return %arg0, %c0_i32, %arg1 : i32, i32, i32
  }
}

</mosaic_0001>

<sc_bundles>
// kernel: kernel.4.cloned.1.call-start
scs
__scs_entry_jumppad:
0x0: {  	(pc) =	sbr.rel $0x88, $3  }
0x1: {  	(tag) =	ssettag $0x0;
	lr =	simm.s32 $0x1  }
0x2: {  	[smem:$0x3F9F] =	sst lr;
	_ =	strace $0xD0000000  }
0x3: {  	_ = 	snop  }
0x4: {  	_ = 	snop  }
0x5: {  	_ = 	snop  }
0x6: {  	_ = 	snop  }
0x7: {  	_ = 	snop  }
__scs_overlays_trampoline_lowered:
0x8: {  	[smem:$0x3FAE] =	sst s0  }
0x9: {  	[smem:$0x3FAF] =	sst s1  }
0xa: {  	[smem:$0x3FB0] =	sst s2  }
0xb: {  	[smem:$0x3FB1] =	sst s3  }
0xc: {  	[smem:$0x3FB2] =	sst s4  }
0xd: {  	[smem:$0x3FB3] =	sst s5  }
0xe: {  	[smem:$0x3FB4] =	sst s6  }
0xf: {  	[smem:$0x3FB5] =	sst s7  }
0x10: {  	[smem:$0x3FB6] =	sst s8  }
0x11: {  	[smem:$0x3FB7] =	sst s9;
	s0 =	simm.s32 @!p0 $0x0  }
0x12: {  	s1 =	sld [smem:$0x3F9D];
	s0 =	simm.s32 @p0 $0x1  }
0x13: {  	[smem:$0x3FB8] =	sst s0;
	s0 =	simm.s32 @!p1 $0x0  }
0x14: {  	s2 =	sld [smem:$0x3F9C];
	s0 =	simm.s32 @p1 $0x1  }
0x15: {  	[smem:$0x3FB9] =	sst s0;
	s0 =	simm.s32 @!p2 $0x0  }
0x16: {  	s3 =	sld [smem:$0x3FDB];
	s0 =	simm.s32 @p2 $0x1  }
0x17: {  	s4 =	simm.s32 $0x1BF5;
	[smem:$0x3FBB] =	sst s0  }
0x18: {  	s0 =	sld [smem:$0x3F9E];
	_ =	swait.ge [sflag:s4], $0x0  }
0x19: {  	s7 =	sld [smem:$0x3F9F]  }
0x1a: {  	s8 =	sadd.s32 $0xFFFFE003, lr  }
0x1b: {  	s9 =	sadd.s32 $0xFFFFFEF7, lr;
	s5 =	simm.s32 $0xFFFFFFFF;
	p2 =	slt.u32 s8, $0xFFFFF086  }
0x1c: {  	p1 =	slt.u32 s9, $0xF7A;
	s5 =	simm.s32 @!p2 $0x0  }
0x1d: {  	s5 =	simm.s32 @p1 $0x1;
	p0 =	seq.s32 s7, s2  }
0x1e: {  	s7 =	smul.u32 @!p0 $0xF7A, s2;
	p2 =	seq.s32 @!p0 s5, $0x0  }
0x1f: {  	s9 =	smul.u32 $0xF7A, s1;
	s8 =	simm.s32 @!p0 $0x1BF5;
	p2 =	por !p2, p0  }
0x20: {  	[sflag:s8] =	ssyncset.s32 @!p0 $0xFFFFF086;
	s6 =	sadd.s32 @!p0 s3, s7;
	s7 =	simm.s32 @!p0 $0x108  }
0x21: {  	s3 =	sadd.s32 s3, s9;
	s6 =	sadd.s32 @!p0 $0x88, s6;
	s7 =	simm.s32 @p2 $0x1082  }
0x22: {  	[simem:s7], [sflag:s8] =	dma.local @!p0 [hbm:s6], $0xF7A  }
0x23: {  	s9 =	sor.u32 $0xD0000000, s2;
	s6 =	simm.s32 $0x108;
	_ =	swait.ge @!p0 [sflag:s8], $0x0  }
0x24: {  	s3 =	sadd.s32 $0x88, s3;
	s6 =	simm.s32 @!p1 $0x1082;
	[sflag:s4] =	ssyncset.s32 $0xFFFFF086  }
0x25: {  	[simem:s6], [sflag:s4] =	dma.local [hbm:s3], $0xF7A  }
0x26: {  	[smem:$0x3F9F] =	sst s1;
	(tag) =	ssettag s2;
	_ =	strace s9  }
0x27: {  	s1 =	sld [smem:$0x3FAF]  }
0x28: {  	s2 =	sld [smem:$0x3FB0]  }
0x29: {  	s4 =	sld [smem:$0x3FB2]  }
0x2a: {  	p0 =	seq.s32 s5, $0x0;
	s5 =	sld [smem:$0x3FB3]  }
0x2b: {  	s6 =	sld [smem:$0x3FB4]  }
0x2c: {  	s7 =	sld [smem:$0x3FB5]  }
0x2d: {  	s3 =	simm.s32 $0x108;
	s8 =	sld [smem:$0x3FB6]  }
0x2e: {  	s3 =	simm.s32 @!p0 $0x1082;
	s9 =	sld [smem:$0x3FB7]  }
0x2f: {  	lr =	sadd.s32 s0, s3;
	s0 =	sld [smem:$0x3FAE]  }
0x30: {  	s3 =	sld [smem:$0x3FB1]  }
0x31: {  	[smem:$0x3FBA] =	sst s10  }
0x32: {  	s10 =	sld [smem:$0x3FB8];
	_ =	sdelay $0x3  }
0x33: {  	p0 =	seq.s32 s10, $0x1;
	s10 =	sld [smem:$0x3FBA];
	_ =	sdelay $0x3  }
0x34: {  	[smem:$0x3FBA] =	sst s10  }
0x35: {  	s10 =	sld [smem:$0x3FB9];
	_ =	sdelay $0x3  }
0x36: {  	p1 =	seq.s32 s10, $0x1;
	s10 =	sld [smem:$0x3FBA];
	_ =	sdelay $0x3  }
0x37: {  	[smem:$0x3FBA] =	sst s10  }
0x38: {  	s10 =	sld [smem:$0x3FBB]  }
0x39: {  	_ = 	snop;
	(pc) =	sbr.ind lr, $3  }
0x3a: {  	_ = 	snop  }
0x3b: {  	_ = 	snop  }
0x3c: {  	p2 =	seq.s32 s10, $0x1;
	s10 =	sld [smem:$0x3FBA]  }
0x3d: {  	_ =	shalt  }
0x3e: {  	_ =	shalt  }
0x3f: {  	_ =	shalt  }
0x40: {  	_ =	shalt  }
0x41: {  	_ =	shalt  }
0x42: {  	_ =	shalt  }
0x43: {  	_ =	shalt  }
0x44: {  	_ =	shalt  }
0x45: {  	_ =	shalt  }
0x46: {  	_ =	shalt  }
0x47: {  	_ =	shalt  }
0x48: {  	_ =	shalt  }
0x49: {  	_ =	shalt  }
0x4a: {  	_ =	shalt  }
0x4b: {  	_ =	shalt  }
0x4c: {  	_ =	shalt  }
0x4d: {  	_ =	shalt  }
0x4e: {  	_ =	shalt  }
0x4f: {  	_ =	shalt  }
0x50: {  	_ =	shalt  }
0x51: {  	_ =	shalt  }
0x52: {  	_ =	shalt  }
0x53: {  	_ =	shalt  }
0x54: {  	_ =	shalt  }
0x55: {  	_ =	shalt  }
0x56: {  	_ =	shalt  }
0x57: {  	_ =	shalt  }
0x58: {  	_ =	shalt  }
0x59: {  	_ =	shalt  }
0x5a: {  	_ =	shalt  }
0x5b: {  	_ =	shalt  }
0x5c: {  	_ =	shalt  }
0x5d: {  	_ =	shalt  }
0x5e: {  	_ =	shalt  }
0x5f: {  	_ =	shalt  }
0x60: {  	_ =	shalt  }
0x61: {  	_ =	shalt  }
0x62: {  	_ =	shalt  }
0x63: {  	_ =	shalt  }
0x64: {  	_ =	shalt  }
0x65: {  	_ =	shalt  }
0x66: {  	_ =	shalt  }
0x67: {  	_ =	shalt  }
0x68: {  	_ =	shalt  }
0x69: {  	_ =	shalt  }
0x6a: {  	_ =	shalt  }
0x6b: {  	_ =	shalt  }
0x6c: {  	_ =	shalt  }
0x6d: {  	_ =	shalt  }
0x6e: {  	_ =	shalt  }
0x6f: {  	_ =	shalt  }
0x70: {  	_ =	shalt  }
0x71: {  	_ =	shalt  }
0x72: {  	_ =	shalt  }
0x73: {  	_ =	shalt  }
0x74: {  	_ =	shalt  }
0x75: {  	_ =	shalt  }
0x76: {  	_ =	shalt  }
0x77: {  	_ =	shalt  }
0x78: {  	_ =	shalt  }
0x79: {  	_ =	shalt  }
0x7a: {  	_ =	shalt  }
0x7b: {  	_ =	shalt  }
0x7c: {  	_ =	shalt  }
0x7d: {  	_ =	shalt  }
0x7e: {  	_ =	shalt  }
0x7f: {  	_ =	shalt  }
0x80: {  	_ =	shalt  }
0x81: {  	_ =	shalt  }
0x82: {  	_ =	shalt  }
0x83: {  	_ =	shalt  }
0x84: {  	_ =	shalt  }
0x85: {  	_ =	shalt  }
0x86: {  	_ =	shalt  }
0x87: {  	_ =	shalt  }
.Lfunc_end0:
.L_simem_size_0:
called_computation_lowered:
.L_overlay_start_0:
0x88: {  	s2 =	sld [smem:$0x3FD9]  }
0x89: {  	s3 =	sld [smem:$0x3FFE];
	_ =	sdelay $0x1  }
0x8a: {  	s1 =	srdreg.scid  }
0x8b: {  	s0 =	sand.u32 $0x1, s1  }
0x8c: {  	s17 =	sshll.u32 s0, $0xA;
	s2 =	sadd.s32 s3, s2  }
0x8d: {  	s2 =	sadd.s32 s2, s17  }
0x8e: {  	[smem:$0x3FC6] =	sst s2  }
0x8f: {  	_ = 	snop  }
0x90: {  	s2 =	sld [smem:$0x3FD0];
	(tm) =	ssettm $0x1  }
0x91: {  	s18 =	sld [smem:$0x3FFB];
	_ =	sdelay $0x3  }
0x92: {  	_ =	strace s18  }
0x93: {  	s3 =	sld [smem:$0x3FFC];
	_ =	sdelay $0x3  }
0x94: {  	_ =	strace s3  }
0x95: {  	s3 =	sld [smem:$0x3FFD];
	_ =	sdelay $0x3  }
0x96: {  	_ =	strace s3  }
0x97: {  	_ =	strace $0x8FFFFFFF  }
0x98: {  	s19 =	sld [smem:$0x3FDB];
	_ =	sdelay $0x1  }
0x99: {  	s4 =	simm.s32 $_scs_section_size  }
0x9a: {  	s5 =	simm.s32 $_size__tile_overlayer_lowered;
	s6 =	simm.s32 $_tile_overlayer_lowered  }
0x9b: {  	s22 =	simm.s32 $0x1BFF;
	s21 =	sshll.u32 s6, $0x1;
	s3 =	sadd.s32 s4, s19  }
0x9c: {  	s7 =	simm.s32 $0x0;
	s20 =	sshll.u32 s5, $0x1;
	s5 =	sadd.s32 s21, s3  }
0x9d: {  	[timem:s7], [sflag:s22] =	dma.local [hbm:s5], s20  }
0x9e: {  	_ =	swait.ge [sflag:s22], s20  }
0x9f: {  	s4 =	ssub.s32 $0x0, s20;
	[sflag:s22] =	ssyncset.done $0x0  }
0xa0: {  	[sflag:s22] =	ssyncadd.s32 s4;
	_ =	sdelay $0x1  }
0xa1: {  	s23 =	simm.s32 $0x1B8B  }
0xa2: {  	_ =	swait.ge [sflag:s23], $0x1  }
0xa3: {  	[sflag:s23] =	ssyncset.done $0x0  }
0xa4: {  	s25 =	simm.s32 $0x1B8E;
	s24 =	sld [smem:$0x3FFE];
	[sflag:s23] =	ssyncadd.s32 $0xFFFFFFFF  }
0xa5: {  	s26 =	simm.s32 $execute0_lowered;
	[smem:$0x3FD2] =	sst s25  }
0xa6: {  	s5 =	sshll.u32 s26, $0x1;
	_ =	strace $0x80000046;
	[dreg:$0x1] =	wrdreg $0xFFFFFFFF  }
0xa7: {  	s28 =	simm.s32 $_size_execute0_lowered;
	s3 =	sadd.s32 s3, s5;
	[dreg:$0x0] =	wrdreg $0x0  }
0xa8: {  	s5 =	sshll.u32 s28, $0x1;
	[dreg:$0x2] =	wrdreg s3  }
0xa9: {  	[dreg:$0x3] =	wrdreg s5  }
0xaa: {  	[dreg:$0x4] =	wrdreg $0xC0  }
0xab: {  	_ =	task [dreg:s7], $0x5FFFF  }
0xac: {  	[dreg:$0x1] =	wrdreg $0xFFFFFFFF  }
0xad: {  	[dreg:$0x0] =	wrdreg $0x60  }
0xae: {  	[dreg:$0x2] =	wrdreg s24  }
0xaf: {  	[dreg:$0x3] =	wrdreg s2  }
0xb0: {  	[dreg:$0x4] =	wrdreg $0x9  }
0xb1: {  	_ =	task.clear_ibuf [dreg:s7], $0x5FFFF;
	_ =	strace $0x90000046  }
0xb2: {  	s29 =	simm.s32 $0x9;
	_ =	strace $0x80000048  }
0xb3: {  	_ =	swait.ge [sflag:s29], $0x1  }
0xb4: {  	[sflag:s29] =	ssyncadd.s32 $0xFFFFFFFF  }
0xb5: {  	_ =	strace $0x90000048  }
0xb6: {  	_ =	sfence  }
0xb7: {  	s30 =	sld [smem:$0x0];
	_ =	sdelay $0x2  }
0xb8: {  	s31 =	sshll.u32 s1, $0xD;
	s1 =	sshrl.u32 s1, $0x2  }
0xb9: {  	s3 =	sand.u32 $0x4000, s31;
	s1 =	sadd.s32 s1, s30  }
0xba: {  	s0 =	sor.u32 s3, s0;
	s1 =	sshll.u32 s1, $0x11  }
0xbb: {  	s0 =	sor.u32 s1, s0  }
0xbc: {  	s0 =	sadd.s32 $0x8F2B, s0  }
0xbd: {  	[sflag:s0] =	ssyncadd.remote.s32 $0x1  }
0xbe: {  	_ =	sfence.sel $0xFFFF  }
0xbf: {  	[dreg:$0x0] =	wrdreg $0xFFFFFFFF;
	(pc) =	sbr.abs _section_cstart, $3  }
0xc0: {  	[dreg:$0x1] =	wrdreg $0xFFFFFFFF  }
0xc1: {  	_ =	task.clear_ibuf [dreg:s7], $0x2FFFF;
	_ =	strace $0x9FFFFFFF  }
0xc2: {  	(tm) =	ssettm $0x7FFFFFFF  }
0xc3: {  	_ =	shalt  }
tec
execute0_lowered:
.L_overlay_start_1:
0x0: {  	(tag) =	ssettag $0x1  }
0x1: {  	s1 =	stileid.u32  }
0x2: {  	s0 =	srdreg.scid;
	s2 =	sshll.u32 s1, $0x1  }
0x3: {  	s4 =	rddreg [dreg:$0x0];
	s31 =	sand.u32 $0x1, s0;
	s7 =	sand.u32 $0x2, s2  }
0x4: {  	s30 =	rddreg [dreg:$0x1];
	s3 =	sshll.u32 s1, $0xC;
	s0 =	sor.u32 s31, s7  }
0x5: {  	s2 =	simm.s32 $0x0;
	s3 =	sand.u32 $0xE000, s3;
	s0 =	sshll.u32 s0, $0xB  }
0x6: {  	s1 =	sadd.s32 $0xE00, s4;
	[smem:$0x7FF] =	sst s2;
	s0 =	sor.u32 s3, s0  }
0x7: {  	_ =	strace $0x80000047;
	s3 =	sshrl.u32 s0, $0x3;
	s5 =	sshll.u32 s0, $0x4  }
0x8: {  	s9 =	sor.u32 $0x80, s0;
	s6 =	sor.u32 $0x100, s0;
	s3 =	sadd.s32 s30, s3  }
0x9: {  	s8 =	sadd.s32 s1, s5;
	s10 =	sshrl.u32 s9, $0x3;
	[dreg:$0x3] =	wrdreg s3  }
0xa: {  	s5 =	sshll.u32 s9, $0x4;
	[dreg:$0x4] =	wrdreg s8;
	s3 =	sadd.s32 s30, s10  }
0xb: {  	s12 =	sshrl.u32 s6, $0x3;
	s11 =	sadd.s32 s1, s5;
	[dreg:$0x5] =	wrdreg s3  }
0xc: {  	s14 =	sshll.u32 s6, $0x4;
	s13 =	sadd.s32 s30, s12;
	[dreg:$0x6] =	wrdreg s11  }
0xd: {  	s16 =	sor.u32 $0x180, s0;
	s15 =	sadd.s32 s1, s14;
	[dreg:$0x7] =	wrdreg s13  }
0xe: {  	s17 =	sshrl.u32 s16, $0x3;
	[dreg:$0x8] =	wrdreg s15  }
0xf: {  	s5 =	sshll.u32 s16, $0x4;
	s3 =	sadd.s32 s30, s17;
	s18 =	rddreg [dreg:$0x3]  }
0x10: {  	s19 =	sadd.s32 s1, s5;
	[dreg:$0x9] =	wrdreg s3  }
0x11: {  	[dreg:$0xa] =	wrdreg s19;
	s3 =	simm.s32 $0x2  }
0x12: {  	[tilespmem:s2], [sflag:$0x2] =	stream.linear.gather [hbm4b:s18+s2], $0x80, $0x38;
	[tilespmem:$0x4080] =	vst v63  }
0x13: {  	_ =	swait.ge [sflag:s3], $0x80  }
0x14: {  	s4 =	sadd.s32 $0x200E00, s4;
	[sflag:s3] =	ssyncset.done $0x0  }
0x15: {  	s6 =	simm.s32 $0x1;
	s5 =	simm.s32 $0x80;
	[sflag:s3] =	ssyncadd.s32 $0xFFFFFF80  }
0x16: {  	[tilespmem:s5], [sflag:$0x1] =	stream.indirect.gather [hbm4b:s4+s5], $0x80, s2, s5, $0xb8;
	[tilespmem:$0x4080] =	vst v63  }
0x17: {  	_ =	swait.ge [sflag:s6], $0x4000  }
0x18: {  	[sflag:s6] =	ssyncset.done $0x0  }
0x19: {  	s7 =	rddreg [dreg:$0x4];
	[sflag:s6] =	ssyncadd.s32 $0xFFFFC000  }
0x1a: {  	[hbm4b:s7+s2] =	stream.linear.scatter [tilespmem:s5], [sflag:$0x2], $0x4000, $0x38;
	[tilespmem:$0x4080] =	vst v63  }
0x1b: {  	_ =	swait.ge [sflag:s3], $0x4000  }
0x1c: {  	[sflag:s3] =	ssyncset.done $0x0  }
0x1d: {  	s20 =	rddreg [dreg:$0x5];
	[sflag:s3] =	ssyncadd.s32 $0xFFFFC000  }
0x1e: {  	[tilespmem:s2], [sflag:$0x2] =	stream.linear.gather [hbm4b:s20+s2], $0x80, $0x38;
	[tilespmem:$0x4080] =	vst v63  }
0x1f: {  	_ =	swait.ge [sflag:s3], $0x80  }
0x20: {  	[sflag:s3] =	ssyncset.done $0x0  }
0x21: {  	[sflag:s3] =	ssyncadd.s32 $0xFFFFFF80  }
0x22: {  	[tilespmem:s5], [sflag:$0x1] =	stream.indirect.gather [hbm4b:s4+s5], $0x80, s2, s5, $0xb8;
	[tilespmem:$0x4080] =	vst v63  }
0x23: {  	_ =	swait.ge [sflag:s6], $0x4000  }
0x24: {  	[sflag:s6] =	ssyncset.done $0x0  }
0x25: {  	s21 =	rddreg [dreg:$0x6];
	[sflag:s6] =	ssyncadd.s32 $0xFFFFC000  }
0x26: {  	[hbm4b:s21+s2] =	stream.linear.scatter [tilespmem:s5], [sflag:$0x2], $0x4000, $0x38;
	[tilespmem:$0x4080] =	vst v63  }
0x27: {  	_ =	swait.ge [sflag:s3], $0x4000  }
0x28: {  	[sflag:s3] =	ssyncset.done $0x0  }
0x29: {  	s22 =	rddreg [dreg:$0x7];
	[sflag:s3] =	ssyncadd.s32 $0xFFFFC000  }
0x2a: {  	[tilespmem:s2], [sflag:$0x2] =	stream.linear.gather [hbm4b:s22+s2], $0x80, $0x38;
	[tilespmem:$0x4080] =	vst v63  }
0x2b: {  	_ =	swait.ge [sflag:s3], $0x80  }
0x2c: {  	[sflag:s3] =	ssyncset.done $0x0  }
0x2d: {  	[sflag:s3] =	ssyncadd.s32 $0xFFFFFF80  }
0x2e: {  	[tilespmem:s5], [sflag:$0x1] =	stream.indirect.gather [hbm4b:s4+s5], $0x80, s2, s5, $0xb8;
	[tilespmem:$0x4080] =	vst v63  }
0x2f: {  	_ =	swait.ge [sflag:s6], $0x4000  }
0x30: {  	[sflag:s6] =	ssyncset.done $0x0  }
0x31: {  	s23 =	rddreg [dreg:$0x8];
	[sflag:s6] =	ssyncadd.s32 $0xFFFFC000  }
0x32: {  	[hbm4b:s23+s2] =	stream.linear.scatter [tilespmem:s5], [sflag:$0x2], $0x4000, $0x38;
	[tilespmem:$0x4080] =	vst v63  }
0x33: {  	_ =	swait.ge [sflag:s3], $0x4000  }
0x34: {  	[sflag:s3] =	ssyncset.done $0x0  }
0x35: {  	s24 =	rddreg [dreg:$0x9];
	[sflag:s3] =	ssyncadd.s32 $0xFFFFC000  }
0x36: {  	[tilespmem:s2], [sflag:$0x2] =	stream.linear.gather [hbm4b:s24+s2], $0x80, $0x38;
	[tilespmem:$0x4080] =	vst v63  }
0x37: {  	_ =	swait.ge [sflag:s3], $0x80  }
0x38: {  	[sflag:s3] =	ssyncset.done $0x0  }
0x39: {  	[sflag:s3] =	ssyncadd.s32 $0xFFFFFF80  }
0x3a: {  	[tilespmem:s5], [sflag:$0x1] =	stream.indirect.gather [hbm4b:s4+s5], $0x80, s2, s5, $0xb8;
	[tilespmem:$0x4080] =	vst v63  }
0x3b: {  	_ =	swait.ge [sflag:s6], $0x4000  }
0x3c: {  	[sflag:s6] =	ssyncset.done $0x0  }
0x3d: {  	s25 =	rddreg [dreg:$0xa];
	[sflag:s6] =	ssyncadd.s32 $0xFFFFC000  }
0x3e: {  	[hbm4b:s25+s2] =	stream.linear.scatter [tilespmem:s5], [sflag:$0x2], $0x4000, $0x38;
	[tilespmem:$0x4080] =	vst v63  }
0x3f: {  	s8 =	sor.u32 $0x200, s0;
	_ =	swait.ge [sflag:s3], $0x4000  }
0x40: {  	s26 =	sshrl.u32 s8, $0x3;
	[sflag:s3] =	ssyncset.done $0x0  }
0x41: {  	s7 =	sadd.s32 s30, s26;
	[sflag:s3] =	ssyncadd.s32 $0xFFFFC000  }
0x42: {  	[tilespmem:s2], [sflag:$0x2] =	stream.linear.gather [hbm4b:s7+s2], $0x80, $0x38;
	[tilespmem:$0x4080] =	vst v63  }
0x43: {  	_ =	swait.ge [sflag:s3], $0x80  }
0x44: {  	[sflag:s3] =	ssyncset.done $0x0  }
0x45: {  	[sflag:s3] =	ssyncadd.s32 $0xFFFFFF80  }
0x46: {  	[tilespmem:s5], [sflag:$0x1] =	stream.indirect.gather [hbm4b:s4+s5], $0x80, s2, s5, $0xb8;
	[tilespmem:$0x4080] =	vst v63  }
0x47: {  	_ =	swait.ge [sflag:s6], $0x4000  }
0x48: {  	s8 =	sshll.u32 s8, $0x4;
	[sflag:s6] =	ssyncset.done $0x0  }
0x49: {  	s8 =	sadd.s32 s1, s8;
	[sflag:s6] =	ssyncadd.s32 $0xFFFFC000  }
0x4a: {  	[hbm4b:s8+s2] =	stream.linear.scatter [tilespmem:s5], [sflag:$0x2], $0x4000, $0x38;
	[tilespmem:$0x4080] =	vst v63  }
0x4b: {  	s10 =	sor.u32 $0x280, s0;
	_ =	swait.ge [sflag:s3], $0x4000  }
0x4c: {  	s9 =	sshrl.u32 s10, $0x3;
	[sflag:s3] =	ssyncset.done $0x0  }
0x4d: {  	s9 =	sadd.s32 s30, s9;
	[sflag:s3] =	ssyncadd.s32 $0xFFFFC000  }
0x4e: {  	[tilespmem:s2], [sflag:$0x2] =	stream.linear.gather [hbm4b:s9+s2], $0x80, $0x38;
	[tilespmem:$0x4080] =	vst v63  }
0x4f: {  	_ =	swait.ge [sflag:s3], $0x80  }
0x50: {  	[sflag:s3] =	ssyncset.done $0x0  }
0x51: {  	[sflag:s3] =	ssyncadd.s32 $0xFFFFFF80  }
0x52: {  	[tilespmem:s5], [sflag:$0x1] =	stream.indirect.gather [hbm4b:s4+s5], $0x80, s2, s5, $0xb8;
	[tilespmem:$0x4080] =	vst v63  }
0x53: {  	_ =	swait.ge [sflag:s6], $0x4000  }
0x54: {  	s10 =	sshll.u32 s10, $0x4;
	[sflag:s6] =	ssyncset.done $0x0  }
0x55: {  	s10 =	sadd.s32 s1, s10;
	[sflag:s6] =	ssyncadd.s32 $0xFFFFC000  }
0x56: {  	[hbm4b:s10+s2] =	stream.linear.scatter [tilespmem:s5], [sflag:$0x2], $0x4000, $0x38;
	[tilespmem:$0x4080] =	vst v63  }
0x57: {  	s12 =	sor.u32 $0x300, s0;
	_ =	swait.ge [sflag:s3], $0x4000  }
0x58: {  	s11 =	sshrl.u32 s12, $0x3;
	[sflag:s3] =	ssyncset.done $0x0  }
0x59: {  	s11 =	sadd.s32 s30, s11;
	[sflag:s3] =	ssyncadd.s32 $0xFFFFC000  }
0x5a: {  	[tilespmem:s2], [sflag:$0x2] =	stream.linear.gather [hbm4b:s11+s2], $0x80, $0x38;
	[tilespmem:$0x4080] =	vst v63  }
0x5b: {  	_ =	swait.ge [sflag:s3], $0x80  }
0x5c: {  	[sflag:s3] =	ssyncset.done $0x0  }
0x5d: {  	[sflag:s3] =	ssyncadd.s32 $0xFFFFFF80  }
0x5e: {  	[tilespmem:s5], [sflag:$0x1] =	stream.indirect.gather [hbm4b:s4+s5], $0x80, s2, s5, $0xb8;
	[tilespmem:$0x4080] =	vst v63  }
0x5f: {  	_ =	swait.ge [sflag:s6], $0x4000  }
0x60: {  	s12 =	sshll.u32 s12, $0x4;
	[sflag:s6] =	ssyncset.done $0x0  }
0x61: {  	s12 =	sadd.s32 s1, s12;
	[sflag:s6] =	ssyncadd.s32 $0xFFFFC000  }
0x62: {  	[hbm4b:s12+s2] =	stream.linear.scatter [tilespmem:s5], [sflag:$0x2], $0x4000, $0x38;
	[tilespmem:$0x4080] =	vst v63  }
0x63: {  	s14 =	sor.u32 $0x380, s0;
	_ =	swait.ge [sflag:s3], $0x4000  }
0x64: {  	s13 =	sshrl.u32 s14, $0x3;
	[sflag:s3] =	ssyncset.done $0x0  }
0x65: {  	s13 =	sadd.s32 s30, s13;
	[sflag:s3] =	ssyncadd.s32 $0xFFFFC000  }
0x66: {  	[tilespmem:s2], [sflag:$0x2] =	stream.linear.gather [hbm4b:s13+s2], $0x80, $0x38;
	[tilespmem:$0x4080] =	vst v63  }
0x67: {  	_ =	swait.ge [sflag:s3], $0x80  }
0x68: {  	[sflag:s3] =	ssyncset.done $0x0  }
0x69: {  	[sflag:s3] =	ssyncadd.s32 $0xFFFFFF80  }
0x6a: {  	[tilespmem:s5], [sflag:$0x1] =	stream.indirect.gather [hbm4b:s4+s5], $0x80, s2, s5, $0xb8;
	[tilespmem:$0x4080] =	vst v63  }
0x6b: {  	_ =	swait.ge [sflag:s6], $0x4000  }
0x6c: {  	s14 =	sshll.u32 s14, $0x4;
	[sflag:s6] =	ssyncset.done $0x0  }
0x6d: {  	s14 =	sadd.s32 s1, s14;
	[sflag:s6] =	ssyncadd.s32 $0xFFFFC000  }
0x6e: {  	[hbm4b:s14+s2] =	stream.linear.scatter [tilespmem:s5], [sflag:$0x2], $0x4000, $0x38;
	[tilespmem:$0x4080] =	vst v63  }
0x6f: {  	s16 =	sor.u32 $0x400, s0;
	_ =	swait.ge [sflag:s3], $0x4000  }
0x70: {  	s15 =	sshrl.u32 s16, $0x3;
	[sflag:s3] =	ssyncset.done $0x0  }
0x71: {  	s15 =	sadd.s32 s30, s15;
	[sflag:s3] =	ssyncadd.s32 $0xFFFFC000  }
0x72: {  	[tilespmem:s2], [sflag:$0x2] =	stream.linear.gather [hbm4b:s15+s2], $0x80, $0x38;
	[tilespmem:$0x4080] =	vst v63  }
0x73: {  	_ =	swait.ge [sflag:s3], $0x80  }
0x74: {  	[sflag:s3] =	ssyncset.done $0x0  }
0x75: {  	[sflag:s3] =	ssyncadd.s32 $0xFFFFFF80  }
0x76: {  	[tilespmem:s5], [sflag:$0x1] =	stream.indirect.gather [hbm4b:s4+s5], $0x80, s2, s5, $0xb8;
	[tilespmem:$0x4080] =	vst v63  }
0x77: {  	_ =	swait.ge [sflag:s6], $0x4000  }
0x78: {  	s16 =	sshll.u32 s16, $0x4;
	[sflag:s6] =	ssyncset.done $0x0  }
0x79: {  	s16 =	sadd.s32 s1, s16;
	[sflag:s6] =	ssyncadd.s32 $0xFFFFC000  }
0x7a: {  	[hbm4b:s16+s2] =	stream.linear.scatter [tilespmem:s5], [sflag:$0x2], $0x4000, $0x38;
	[tilespmem:$0x4080] =	vst v63  }
0x7b: {  	s18 =	sor.u32 $0x480, s0;
	_ =	swait.ge [sflag:s3], $0x4000  }
0x7c: {  	s17 =	sshrl.u32 s18, $0x3;
	[sflag:s3] =	ssyncset.done $0x0  }
0x7d: {  	s17 =	sadd.s32 s30, s17;
	[sflag:s3] =	ssyncadd.s32 $0xFFFFC000  }
0x7e: {  	[tilespmem:s2], [sflag:$0x2] =	stream.linear.gather [hbm4b:s17+s2], $0x80, $0x38;
	[tilespmem:$0x4080] =	vst v63  }
0x7f: {  	_ =	swait.ge [sflag:s3], $0x80  }
0x80: {  	[sflag:s3] =	ssyncset.done $0x0  }
0x81: {  	[sflag:s3] =	ssyncadd.s32 $0xFFFFFF80  }
0x82: {  	[tilespmem:s5], [sflag:$0x1] =	stream.indirect.gather [hbm4b:s4+s5], $0x80, s2, s5, $0xb8;
	[tilespmem:$0x4080] =	vst v63  }
0x83: {  	_ =	swait.ge [sflag:s6], $0x4000  }
0x84: {  	s18 =	sshll.u32 s18, $0x4;
	[sflag:s6] =	ssyncset.done $0x0  }
0x85: {  	s18 =	sadd.s32 s1, s18;
	[sflag:s6] =	ssyncadd.s32 $0xFFFFC000  }
0x86: {  	[hbm4b:s18+s2] =	stream.linear.scatter [tilespmem:s5], [sflag:$0x2], $0x4000, $0x38;
	[tilespmem:$0x4080] =	vst v63  }
0x87: {  	s20 =	sor.u32 $0x500, s0;
	_ =	swait.ge [sflag:s3], $0x4000  }
0x88: {  	s19 =	sshrl.u32 s20, $0x3;
	[sflag:s3] =	ssyncset.done $0x0  }
0x89: {  	s19 =	sadd.s32 s30, s19;
	[sflag:s3] =	ssyncadd.s32 $0xFFFFC000  }
0x8a: {  	[tilespmem:s2], [sflag:$0x2] =	stream.linear.gather [hbm4b:s19+s2], $0x80, $0x38;
	[tilespmem:$0x4080] =	vst v63  }
0x8b: {  	_ =	swait.ge [sflag:s3], $0x80  }
0x8c: {  	[sflag:s3] =	ssyncset.done $0x0  }
0x8d: {  	[sflag:s3] =	ssyncadd.s32 $0xFFFFFF80  }
0x8e: {  	[tilespmem:s5], [sflag:$0x1] =	stream.indirect.gather [hbm4b:s4+s5], $0x80, s2, s5, $0xb8;
	[tilespmem:$0x4080] =	vst v63  }
0x8f: {  	_ =	swait.ge [sflag:s6], $0x4000  }
0x90: {  	s20 =	sshll.u32 s20, $0x4;
	[sflag:s6] =	ssyncset.done $0x0  }
0x91: {  	s20 =	sadd.s32 s1, s20;
	[sflag:s6] =	ssyncadd.s32 $0xFFFFC000  }
0x92: {  	[hbm4b:s20+s2] =	stream.linear.scatter [tilespmem:s5], [sflag:$0x2], $0x4000, $0x38;
	[tilespmem:$0x4080] =	vst v63  }
0x93: {  	s22 =	sor.u32 $0x580, s0;
	_ =	swait.ge [sflag:s3], $0x4000  }
0x94: {  	s21 =	sshrl.u32 s22, $0x3;
	[sflag:s3] =	ssyncset.done $0x0  }
0x95: {  	s21 =	sadd.s32 s30, s21;
	[sflag:s3] =	ssyncadd.s32 $0xFFFFC000  }
0x96: {  	[tilespmem:s2], [sflag:$0x2] =	stream.linear.gather [hbm4b:s21+s2], $0x80, $0x38;
	[tilespmem:$0x4080] =	vst v63  }
0x97: {  	_ =	swait.ge [sflag:s3], $0x80  }
0x98: {  	[sflag:s3] =	ssyncset.done $0x0  }
0x99: {  	[sflag:s3] =	ssyncadd.s32 $0xFFFFFF80  }
0x9a: {  	[tilespmem:s5], [sflag:$0x1] =	stream.indirect.gather [hbm4b:s4+s5], $0x80, s2, s5, $0xb8;
	[tilespmem:$0x4080] =	vst v63  }
0x9b: {  	_ =	swait.ge [sflag:s6], $0x4000  }
0x9c: {  	s22 =	sshll.u32 s22, $0x4;
	[sflag:s6] =	ssyncset.done $0x0  }
0x9d: {  	s22 =	sadd.s32 s1, s22;
	[sflag:s6] =	ssyncadd.s32 $0xFFFFC000  }
0x9e: {  	[hbm4b:s22+s2] =	stream.linear.scatter [tilespmem:s5], [sflag:$0x2], $0x4000, $0x38;
	[tilespmem:$0x4080] =	vst v63  }
0x9f: {  	s24 =	sor.u32 $0x600, s0;
	_ =	swait.ge [sflag:s3], $0x4000  }
0xa0: {  	s23 =	sshrl.u32 s24, $0x3;
	[sflag:s3] =	ssyncset.done $0x0  }
0xa1: {  	s23 =	sadd.s32 s30, s23;
	[sflag:s3] =	ssyncadd.s32 $0xFFFFC000  }
0xa2: {  	[tilespmem:s2], [sflag:$0x2] =	stream.linear.gather [hbm4b:s23+s2], $0x80, $0x38;
	[tilespmem:$0x4080] =	vst v63  }
0xa3: {  	_ =	swait.ge [sflag:s3], $0x80  }
0xa4: {  	[sflag:s3] =	ssyncset.done $0x0  }
0xa5: {  	[sflag:s3] =	ssyncadd.s32 $0xFFFFFF80  }
0xa6: {  	[tilespmem:s5], [sflag:$0x1] =	stream.indirect.gather [hbm4b:s4+s5], $0x80, s2, s5, $0xb8;
	[tilespmem:$0x4080] =	vst v63  }
0xa7: {  	_ =	swait.ge [sflag:s6], $0x4000  }
0xa8: {  	s24 =	sshll.u32 s24, $0x4;
	[sflag:s6] =	ssyncset.done $0x0  }
0xa9: {  	s24 =	sadd.s32 s1, s24;
	[sflag:s6] =	ssyncadd.s32 $0xFFFFC000  }
0xaa: {  	[hbm4b:s24+s2] =	stream.linear.scatter [tilespmem:s5], [sflag:$0x2], $0x4000, $0x38;
	[tilespmem:$0x4080] =	vst v63  }
0xab: {  	s26 =	sor.u32 $0x680, s0;
	_ =	swait.ge [sflag:s3], $0x4000  }
0xac: {  	s25 =	sshrl.u32 s26, $0x3;
	[sflag:s3] =	ssyncset.done $0x0  }
0xad: {  	s25 =	sadd.s32 s30, s25;
	[sflag:s3] =	ssyncadd.s32 $0xFFFFC000  }
0xae: {  	[tilespmem:s2], [sflag:$0x2] =	stream.linear.gather [hbm4b:s25+s2], $0x80, $0x38;
	[tilespmem:$0x4080] =	vst v63  }
0xaf: {  	_ =	swait.ge [sflag:s3], $0x80  }
0xb0: {  	[sflag:s3] =	ssyncset.done $0x0  }
0xb1: {  	[sflag:s3] =	ssyncadd.s32 $0xFFFFFF80  }
0xb2: {  	[tilespmem:s5], [sflag:$0x1] =	stream.indirect.gather [hbm4b:s4+s5], $0x80, s2, s5, $0xb8;
	[tilespmem:$0x4080] =	vst v63  }
0xb3: {  	_ =	swait.ge [sflag:s6], $0x4000  }
0xb4: {  	s26 =	sshll.u32 s26, $0x4;
	[sflag:s6] =	ssyncset.done $0x0  }
0xb5: {  	s26 =	sadd.s32 s1, s26;
	[dreg:$0xb] =	wrdreg s1;
	[sflag:s6] =	ssyncadd.s32 $0xFFFFC000  }
0xb6: {  	[hbm4b:s26+s2] =	stream.linear.scatter [tilespmem:s5], [sflag:$0x2], $0x4000, $0x38;
	[tilespmem:$0x4080] =	vst v63  }
0xb7: {  	s29 =	sor.u32 $0x700, s0;
	_ =	swait.ge [sflag:s3], $0x4000  }
0xb8: {  	s28 =	sshrl.u32 s29, $0x3;
	[sflag:s3] =	ssyncset.done $0x0  }
0xb9: {  	s28 =	sadd.s32 s30, s28;
	[sflag:s3] =	ssyncadd.s32 $0xFFFFC000  }
0xba: {  	[tilespmem:s2], [sflag:$0x2] =	stream.linear.gather [hbm4b:s28+s2], $0x80, $0x38;
	[tilespmem:$0x4080] =	vst v63  }
0xbb: {  	_ =	swait.ge [sflag:s3], $0x80  }
0xbc: {  	[sflag:s3] =	ssyncset.done $0x0  }
0xbd: {  	[sflag:s3] =	ssyncadd.s32 $0xFFFFFF80  }
0xbe: {  	[tilespmem:s5], [sflag:$0x1] =	stream.indirect.gather [hbm4b:s4+s5], $0x80, s2, s5, $0xb8;
	[tilespmem:$0x4080] =	vst v63  }
0xbf: {  	_ =	swait.ge [sflag:s6], $0x4000  }
0xc0: {  	s29 =	sshll.u32 s29, $0x4;
	[sflag:s6] =	ssyncset.done $0x0  }
0xc1: {  	s29 =	sadd.s32 s1, s29;
	s0 =	sor.u32 $0x780, s0;
	[sflag:s6] =	ssyncadd.s32 $0xFFFFC000  }
0xc2: {  	[hbm4b:s29+s2] =	stream.linear.scatter [tilespmem:s5], [sflag:$0x2], $0x4000, $0x38;
	[tilespmem:$0x4080] =	vst v63  }
0xc3: {  	s1 =	sshrl.u32 s0, $0x3;
	_ =	swait.ge [sflag:s3], $0x4000  }
0xc4: {  	s30 =	sadd.s32 s30, s1;
	s1 =	ssub.s32 $0x2, s31;
	[sflag:s3] =	ssyncset.done $0x0  }
0xc5: {  	s31 =	sshrl.u32 s1, $0x1;
	[sflag:s3] =	ssyncadd.s32 $0xFFFFC000  }
0xc6: {  	[tilespmem:s2], [sflag:$0x2] =	stream.linear.gather [hbm4b:s30+s2], $0x80, $0x38;
	[tilespmem:$0x4080] =	vst v63  }
0xc7: {  	s1 =	ssub.s32 s1, s31;
	_ =	swait.ge [sflag:s3], $0x80  }
0xc8: {  	s1 =	smax.u32 s1, $0x1;
	[sflag:s3] =	ssyncset.done $0x0  }
0xc9: {  	p0 =	sne.s32 s1, $0x1;
	[sflag:s3] =	ssyncadd.s32 $0xFFFFFF80  }
0xca: {  	[tilespmem:s5], [sflag:$0x1] =	stream.indirect.gather [hbm4b:s4+s5], $0x80, s2, s5, $0xb8;
	[tilespmem:$0x4080] =	vst v63  }
.Ltmp0:
0xcb: {  	_ =	swait.ge [sflag:s6], $0x4000;
	(pc) =	sbr.rel @!p0 .LBB2_2-.Ltmp0, $4  }
0xcc: {  	s0 =	sshll.u32 s0, $0x4;
	[sflag:s6] =	ssyncset.done $0x0;
	s31 =	rddreg [dreg:$0xb]  }
0xcd: {  	s31 =	sadd.s32 s31, s0;
	[sflag:s6] =	ssyncadd.s32 $0xFFFFC000  }
0xce: {  	[hbm4b:s31+s2] =	stream.linear.scatter [tilespmem:s5], [sflag:$0x2], $0x4000, $0x38;
	[tilespmem:$0x4080] =	vst v63  }
0xcf: {  	s1 =	sadd.s32 $0xFFFFFFFF, s1;
	_ =	swait.ge [sflag:s3], $0x4000  }
.LBB2_1:
0xd0: {  	[sflag:s3] =	ssyncset.done $0x0  }
0xd1: {  	s0 =	rddreg [dreg:$0x3];
	[sflag:s3] =	ssyncadd.s32 $0xFFFFC000  }
0xd2: {  	[tilespmem:s2], [sflag:$0x2] =	stream.linear.gather [hbm4b:s0+s2], $0x80, $0x38;
	[tilespmem:$0x4080] =	vst v63  }
0xd3: {  	_ =	swait.ge [sflag:s3], $0x80  }
0xd4: {  	[sflag:s3] =	ssyncset.done $0x0  }
0xd5: {  	[sflag:s3] =	ssyncadd.s32 $0xFFFFFF80  }
0xd6: {  	[tilespmem:s5], [sflag:$0x1] =	stream.indirect.gather [hbm4b:s4+s5], $0x80, s2, s5, $0xb8;
	[tilespmem:$0x4080] =	vst v63  }
0xd7: {  	_ =	swait.ge [sflag:s6], $0x4000  }
0xd8: {  	[sflag:s6] =	ssyncset.done $0x0  }
0xd9: {  	s0 =	rddreg [dreg:$0x4];
	[sflag:s6] =	ssyncadd.s32 $0xFFFFC000  }
0xda: {  	[hbm4b:s0+s2] =	stream.linear.scatter [tilespmem:s5], [sflag:$0x2], $0x4000, $0x38;
	[tilespmem:$0x4080] =	vst v63  }
0xdb: {  	_ =	swait.ge [sflag:s3], $0x4000  }
0xdc: {  	[sflag:s3] =	ssyncset.done $0x0  }
0xdd: {  	s0 =	rddreg [dreg:$0x5];
	[sflag:s3] =	ssyncadd.s32 $0xFFFFC000  }
0xde: {  	[tilespmem:s2], [sflag:$0x2] =	stream.linear.gather [hbm4b:s0+s2], $0x80, $0x38;
	[tilespmem:$0x4080] =	vst v63  }
0xdf: {  	_ =	swait.ge [sflag:s3], $0x80  }
0xe0: {  	[sflag:s3] =	ssyncset.done $0x0  }
0xe1: {  	[sflag:s3] =	ssyncadd.s32 $0xFFFFFF80  }
0xe2: {  	[tilespmem:s5], [sflag:$0x1] =	stream.indirect.gather [hbm4b:s4+s5], $0x80, s2, s5, $0xb8;
	[tilespmem:$0x4080] =	vst v63  }
0xe3: {  	_ =	swait.ge [sflag:s6], $0x4000  }
0xe4: {  	[sflag:s6] =	ssyncset.done $0x0  }
0xe5: {  	s0 =	rddreg [dreg:$0x6];
	[sflag:s6] =	ssyncadd.s32 $0xFFFFC000  }
0xe6: {  	[hbm4b:s0+s2] =	stream.linear.scatter [tilespmem:s5], [sflag:$0x2], $0x4000, $0x38;
	[tilespmem:$0x4080] =	vst v63  }
0xe7: {  	_ =	swait.ge [sflag:s3], $0x4000  }
0xe8: {  	[sflag:s3] =	ssyncset.done $0x0  }
0xe9: {  	s0 =	rddreg [dreg:$0x7];
	[sflag:s3] =	ssyncadd.s32 $0xFFFFC000  }
0xea: {  	[tilespmem:s2], [sflag:$0x2] =	stream.linear.gather [hbm4b:s0+s2], $0x80, $0x38;
	[tilespmem:$0x4080] =	vst v63  }
0xeb: {  	_ =	swait.ge [sflag:s3], $0x80  }
0xec: {  	[sflag:s3] =	ssyncset.done $0x0  }
0xed: {  	[sflag:s3] =	ssyncadd.s32 $0xFFFFFF80  }
0xee: {  	[tilespmem:s5], [sflag:$0x1] =	stream.indirect.gather [hbm4b:s4+s5], $0x80, s2, s5, $0xb8;
	[tilespmem:$0x4080] =	vst v63  }
0xef: {  	_ =	swait.ge [sflag:s6], $0x4000  }
0xf0: {  	[sflag:s6] =	ssyncset.done $0x0  }
0xf1: {  	s0 =	rddreg [dreg:$0x8];
	[sflag:s6] =	ssyncadd.s32 $0xFFFFC000  }
0xf2: {  	[hbm4b:s0+s2] =	stream.linear.scatter [tilespmem:s5], [sflag:$0x2], $0x4000, $0x38;
	[tilespmem:$0x4080] =	vst v63  }
0xf3: {  	_ =	swait.ge [sflag:s3], $0x4000  }
0xf4: {  	[sflag:s3] =	ssyncset.done $0x0  }
0xf5: {  	s0 =	rddreg [dreg:$0x9];
	[sflag:s3] =	ssyncadd.s32 $0xFFFFC000  }
0xf6: {  	[tilespmem:s2], [sflag:$0x2] =	stream.linear.gather [hbm4b:s0+s2], $0x80, $0x38;
	[tilespmem:$0x4080] =	vst v63  }
0xf7: {  	_ =	swait.ge [sflag:s3], $0x80  }
0xf8: {  	[sflag:s3] =	ssyncset.done $0x0  }
0xf9: {  	[sflag:s3] =	ssyncadd.s32 $0xFFFFFF80  }
0xfa: {  	[tilespmem:s5], [sflag:$0x1] =	stream.indirect.gather [hbm4b:s4+s5], $0x80, s2, s5, $0xb8;
	[tilespmem:$0x4080] =	vst v63  }
0xfb: {  	_ =	swait.ge [sflag:s6], $0x4000  }
0xfc: {  	[sflag:s6] =	ssyncset.done $0x0  }
0xfd: {  	s0 =	rddreg [dreg:$0xa];
	[sflag:s6] =	ssyncadd.s32 $0xFFFFC000  }
0xfe: {  	[hbm4b:s0+s2] =	stream.linear.scatter [tilespmem:s5], [sflag:$0x2], $0x4000, $0x38;
	[tilespmem:$0x4080] =	vst v63  }
0xff: {  	_ =	swait.ge [sflag:s3], $0x4000  }
0x100: {  	[sflag:s3] =	ssyncset.done $0x0  }
0x101: {  	[sflag:s3] =	ssyncadd.s32 $0xFFFFC000  }
0x102: {  	[tilespmem:s2], [sflag:$0x2] =	stream.linear.gather [hbm4b:s7+s2], $0x80, $0x38;
	[tilespmem:$0x4080] =	vst v63  }
0x103: {  	_ =	swait.ge [sflag:s3], $0x80  }
0x104: {  	[sflag:s3] =	ssyncset.done $0x0  }
0x105: {  	[sflag:s3] =	ssyncadd.s32 $0xFFFFFF80  }
0x106: {  	[tilespmem:s5], [sflag:$0x1] =	stream.indirect.gather [hbm4b:s4+s5], $0x80, s2, s5, $0xb8;
	[tilespmem:$0x4080] =	vst v63  }
0x107: {  	_ =	swait.ge [sflag:s6], $0x4000  }
0x108: {  	[sflag:s6] =	ssyncset.done $0x0  }
0x109: {  	[sflag:s6] =	ssyncadd.s32 $0xFFFFC000  }
0x10a: {  	[hbm4b:s8+s2] =	stream.linear.scatter [tilespmem:s5], [sflag:$0x2], $0x4000, $0x38;
	[tilespmem:$0x4080] =	vst v63  }
0x10b: {  	_ =	swait.ge [sflag:s3], $0x4000  }
0x10c: {  	[sflag:s3] =	ssyncset.done $0x0  }
0x10d: {  	[sflag:s3] =	ssyncadd.s32 $0xFFFFC000  }
0x10e: {  	[tilespmem:s2], [sflag:$0x2] =	stream.linear.gather [hbm4b:s9+s2], $0x80, $0x38;
	[tilespmem:$0x4080] =	vst v63  }
0x10f: {  	_ =	swait.ge [sflag:s3], $0x80  }
0x110: {  	[sflag:s3] =	ssyncset.done $0x0  }
0x111: {  	[sflag:s3] =	ssyncadd.s32 $0xFFFFFF80  }
0x112: {  	[tilespmem:s5], [sflag:$0x1] =	stream.indirect.gather [hbm4b:s4+s5], $0x80, s2, s5, $0xb8;
	[tilespmem:$0x4080] =	vst v63  }
0x113: {  	_ =	swait.ge [sflag:s6], $0x4000  }
0x114: {  	[sflag:s6] =	ssyncset.done $0x0  }
0x115: {  	[sflag:s6] =	ssyncadd.s32 $0xFFFFC000  }
0x116: {  	[hbm4b:s10+s2] =	stream.linear.scatter [tilespmem:s5], [sflag:$0x2], $0x4000, $0x38;
	[tilespmem:$0x4080] =	vst v63  }
0x117: {  	_ =	swait.ge [sflag:s3], $0x4000  }
0x118: {  	[sflag:s3] =	ssyncset.done $0x0  }
0x119: {  	[sflag:s3] =	ssyncadd.s32 $0xFFFFC000  }
0x11a: {  	[tilespmem:s2], [sflag:$0x2] =	stream.linear.gather [hbm4b:s11+s2], $0x80, $0x38;
	[tilespmem:$0x4080] =	vst v63  }
0x11b: {  	_ =	swait.ge [sflag:s3], $0x80  }
0x11c: {  	[sflag:s3] =	ssyncset.done $0x0  }
0x11d: {  	[sflag:s3] =	ssyncadd.s32 $0xFFFFFF80  }
0x11e: {  	[tilespmem:s5], [sflag:$0x1] =	stream.indirect.gather [hbm4b:s4+s5], $0x80, s2, s5, $0xb8;
	[tilespmem:$0x4080] =	vst v63  }
0x11f: {  	_ =	swait.ge [sflag:s6], $0x4000  }
0x120: {  	[sflag:s6] =	ssyncset.done $0x0  }
0x121: {  	[sflag:s6] =	ssyncadd.s32 $0xFFFFC000  }
0x122: {  	[hbm4b:s12+s2] =	stream.linear.scatter [tilespmem:s5], [sflag:$0x2], $0x4000, $0x38;
	[tilespmem:$0x4080] =	vst v63  }
0x123: {  	_ =	swait.ge [sflag:s3], $0x4000  }
0x124: {  	[sflag:s3] =	ssyncset.done $0x0  }
0x125: {  	[sflag:s3] =	ssyncadd.s32 $0xFFFFC000  }
0x126: {  	[tilespmem:s2], [sflag:$0x2] =	stream.linear.gather [hbm4b:s13+s2], $0x80, $0x38;
	[tilespmem:$0x4080] =	vst v63  }
0x127: {  	_ =	swait.ge [sflag:s3], $0x80  }
0x128: {  	[sflag:s3] =	ssyncset.done $0x0  }
0x129: {  	[sflag:s3] =	ssyncadd.s32 $0xFFFFFF80  }
0x12a: {  	[tilespmem:s5], [sflag:$0x1] =	stream.indirect.gather [hbm4b:s4+s5], $0x80, s2, s5, $0xb8;
	[tilespmem:$0x4080] =	vst v63  }
0x12b: {  	_ =	swait.ge [sflag:s6], $0x4000  }
0x12c: {  	[sflag:s6] =	ssyncset.done $0x0  }
0x12d: {  	[sflag:s6] =	ssyncadd.s32 $0xFFFFC000  }
0x12e: {  	[hbm4b:s14+s2] =	stream.linear.scatter [tilespmem:s5], [sflag:$0x2], $0x4000, $0x38;
	[tilespmem:$0x4080] =	vst v63  }
0x12f: {  	_ =	swait.ge [sflag:s3], $0x4000  }
0x130: {  	[sflag:s3] =	ssyncset.done $0x0  }
0x131: {  	[sflag:s3] =	ssyncadd.s32 $0xFFFFC000  }
0x132: {  	[tilespmem:s2], [sflag:$0x2] =	stream.linear.gather [hbm4b:s15+s2], $0x80, $0x38;
	[tilespmem:$0x4080] =	vst v63  }
0x133: {  	_ =	swait.ge [sflag:s3], $0x80  }
0x134: {  	[sflag:s3] =	ssyncset.done $0x0  }
0x135: {  	[sflag:s3] =	ssyncadd.s32 $0xFFFFFF80  }
0x136: {  	[tilespmem:s5], [sflag:$0x1] =	stream.indirect.gather [hbm4b:s4+s5], $0x80, s2, s5, $0xb8;
	[tilespmem:$0x4080] =	vst v63  }
0x137: {  	_ =	swait.ge [sflag:s6], $0x4000  }
0x138: {  	[sflag:s6] =	ssyncset.done $0x0  }
0x139: {  	[sflag:s6] =	ssyncadd.s32 $0xFFFFC000  }
0x13a: {  	[hbm4b:s16+s2] =	stream.linear.scatter [tilespmem:s5], [sflag:$0x2], $0x4000, $0x38;
	[tilespmem:$0x4080] =	vst v63  }
0x13b: {  	_ =	swait.ge [sflag:s3], $0x4000  }
0x13c: {  	[sflag:s3] =	ssyncset.done $0x0  }
0x13d: {  	[sflag:s3] =	ssyncadd.s32 $0xFFFFC000  }
0x13e: {  	[tilespmem:s2], [sflag:$0x2] =	stream.linear.gather [hbm4b:s17+s2], $0x80, $0x38;
	[tilespmem:$0x4080] =	vst v63  }
0x13f: {  	_ =	swait.ge [sflag:s3], $0x80  }
0x140: {  	[sflag:s3] =	ssyncset.done $0x0  }
0x141: {  	[sflag:s3] =	ssyncadd.s32 $0xFFFFFF80  }
0x142: {  	[tilespmem:s5], [sflag:$0x1] =	stream.indirect.gather [hbm4b:s4+s5], $0x80, s2, s5, $0xb8;
	[tilespmem:$0x4080] =	vst v63  }
0x143: {  	_ =	swait.ge [sflag:s6], $0x4000  }
0x144: {  	[sflag:s6] =	ssyncset.done $0x0  }
0x145: {  	[sflag:s6] =	ssyncadd.s32 $0xFFFFC000  }
0x146: {  	[hbm4b:s18+s2] =	stream.linear.scatter [tilespmem:s5], [sflag:$0x2], $0x4000, $0x38;
	[tilespmem:$0x4080] =	vst v63  }
0x147: {  	_ =	swait.ge [sflag:s3], $0x4000  }
0x148: {  	[sflag:s3] =	ssyncset.done $0x0  }
0x149: {  	[sflag:s3] =	ssyncadd.s32 $0xFFFFC000  }
0x14a: {  	[tilespmem:s2], [sflag:$0x2] =	stream.linear.gather [hbm4b:s19+s2], $0x80, $0x38;
	[tilespmem:$0x4080] =	vst v63  }
0x14b: {  	_ =	swait.ge [sflag:s3], $0x80  }
0x14c: {  	[sflag:s3] =	ssyncset.done $0x0  }
0x14d: {  	[sflag:s3] =	ssyncadd.s32 $0xFFFFFF80  }
0x14e: {  	[tilespmem:s5], [sflag:$0x1] =	stream.indirect.gather [hbm4b:s4+s5], $0x80, s2, s5, $0xb8;
	[tilespmem:$0x4080] =	vst v63  }
0x14f: {  	_ =	swait.ge [sflag:s6], $0x4000  }
0x150: {  	[sflag:s6] =	ssyncset.done $0x0  }
0x151: {  	[sflag:s6] =	ssyncadd.s32 $0xFFFFC000  }
0x152: {  	[hbm4b:s20+s2] =	stream.linear.scatter [tilespmem:s5], [sflag:$0x2], $0x4000, $0x38;
	[tilespmem:$0x4080] =	vst v63  }
0x153: {  	_ =	swait.ge [sflag:s3], $0x4000  }
0x154: {  	[sflag:s3] =	ssyncset.done $0x0  }
0x155: {  	[sflag:s3] =	ssyncadd.s32 $0xFFFFC000  }
0x156: {  	[tilespmem:s2], [sflag:$0x2] =	stream.linear.gather [hbm4b:s21+s2], $0x80, $0x38;
	[tilespmem:$0x4080] =	vst v63  }
0x157: {  	_ =	swait.ge [sflag:s3], $0x80  }
0x158: {  	[sflag:s3] =	ssyncset.done $0x0  }
0x159: {  	[sflag:s3] =	ssyncadd.s32 $0xFFFFFF80  }
0x15a: {  	[tilespmem:s5], [sflag:$0x1] =	stream.indirect.gather [hbm4b:s4+s5], $0x80, s2, s5, $0xb8;
	[tilespmem:$0x4080] =	vst v63  }
0x15b: {  	_ =	swait.ge [sflag:s6], $0x4000  }
0x15c: {  	[sflag:s6] =	ssyncset.done $0x0  }
0x15d: {  	[sflag:s6] =	ssyncadd.s32 $0xFFFFC000  }
0x15e: {  	[hbm4b:s22+s2] =	stream.linear.scatter [tilespmem:s5], [sflag:$0x2], $0x4000, $0x38;
	[tilespmem:$0x4080] =	vst v63  }
0x15f: {  	_ =	swait.ge [sflag:s3], $0x4000  }
0x160: {  	[sflag:s3] =	ssyncset.done $0x0  }
0x161: {  	[sflag:s3] =	ssyncadd.s32 $0xFFFFC000  }
0x162: {  	[tilespmem:s2], [sflag:$0x2] =	stream.linear.gather [hbm4b:s23+s2], $0x80, $0x38;
	[tilespmem:$0x4080] =	vst v63  }
0x163: {  	_ =	swait.ge [sflag:s3], $0x80  }
0x164: {  	[sflag:s3] =	ssyncset.done $0x0  }
0x165: {  	[sflag:s3] =	ssyncadd.s32 $0xFFFFFF80  }
0x166: {  	[tilespmem:s5], [sflag:$0x1] =	stream.indirect.gather [hbm4b:s4+s5], $0x80, s2, s5, $0xb8;
	[tilespmem:$0x4080] =	vst v63  }
0x167: {  	_ =	swait.ge [sflag:s6], $0x4000  }
0x168: {  	[sflag:s6] =	ssyncset.done $0x0  }
0x169: {  	[sflag:s6] =	ssyncadd.s32 $0xFFFFC000  }
0x16a: {  	[hbm4b:s24+s2] =	stream.linear.scatter [tilespmem:s5], [sflag:$0x2], $0x4000, $0x38;
	[tilespmem:$0x4080] =	vst v63  }
0x16b: {  	_ =	swait.ge [sflag:s3], $0x4000  }
0x16c: {  	[sflag:s3] =	ssyncset.done $0x0  }
0x16d: {  	[sflag:s3] =	ssyncadd.s32 $0xFFFFC000  }
0x16e: {  	[tilespmem:s2], [sflag:$0x2] =	stream.linear.gather [hbm4b:s25+s2], $0x80, $0x38;
	[tilespmem:$0x4080] =	vst v63  }
0x16f: {  	_ =	swait.ge [sflag:s3], $0x80  }
0x170: {  	[sflag:s3] =	ssyncset.done $0x0  }
0x171: {  	[sflag:s3] =	ssyncadd.s32 $0xFFFFFF80  }
0x172: {  	[tilespmem:s5], [sflag:$0x1] =	stream.indirect.gather [hbm4b:s4+s5], $0x80, s2, s5, $0xb8;
	[tilespmem:$0x4080] =	vst v63  }
0x173: {  	_ =	swait.ge [sflag:s6], $0x4000  }
0x174: {  	[sflag:s6] =	ssyncset.done $0x0  }
0x175: {  	[sflag:s6] =	ssyncadd.s32 $0xFFFFC000  }
0x176: {  	[hbm4b:s26+s2] =	stream.linear.scatter [tilespmem:s5], [sflag:$0x2], $0x4000, $0x38;
	[tilespmem:$0x4080] =	vst v63  }
0x177: {  	_ =	swait.ge [sflag:s3], $0x4000  }
0x178: {  	[sflag:s3] =	ssyncset.done $0x0  }
0x179: {  	[sflag:s3] =	ssyncadd.s32 $0xFFFFC000  }
0x17a: {  	[tilespmem:s2], [sflag:$0x2] =	stream.linear.gather [hbm4b:s28+s2], $0x80, $0x38;
	[tilespmem:$0x4080] =	vst v63  }
0x17b: {  	_ =	swait.ge [sflag:s3], $0x80  }
0x17c: {  	[sflag:s3] =	ssyncset.done $0x0  }
0x17d: {  	[sflag:s3] =	ssyncadd.s32 $0xFFFFFF80  }
0x17e: {  	[tilespmem:s5], [sflag:$0x1] =	stream.indirect.gather [hbm4b:s4+s5], $0x80, s2, s5, $0xb8;
	[tilespmem:$0x4080] =	vst v63  }
0x17f: {  	_ =	swait.ge [sflag:s6], $0x4000  }
0x180: {  	[sflag:s6] =	ssyncset.done $0x0  }
0x181: {  	[sflag:s6] =	ssyncadd.s32 $0xFFFFC000  }
0x182: {  	[hbm4b:s29+s2] =	stream.linear.scatter [tilespmem:s5], [sflag:$0x2], $0x4000, $0x38;
	[tilespmem:$0x4080] =	vst v63  }
0x183: {  	_ =	swait.ge [sflag:s3], $0x4000  }
0x184: {  	[sflag:s3] =	ssyncset.done $0x0  }
0x185: {  	[sflag:s3] =	ssyncadd.s32 $0xFFFFC000  }
0x186: {  	[tilespmem:s2], [sflag:$0x2] =	stream.linear.gather [hbm4b:s30+s2], $0x80, $0x38;
	[tilespmem:$0x4080] =	vst v63  }
0x187: {  	_ =	swait.ge [sflag:s3], $0x80  }
0x188: {  	[sflag:s3] =	ssyncset.done $0x0  }
0x189: {  	p0 =	sne.s32 s1, $0x1;
	[sflag:s3] =	ssyncadd.s32 $0xFFFFFF80  }
0x18a: {  	[tilespmem:s5], [sflag:$0x1] =	stream.indirect.gather [hbm4b:s4+s5], $0x80, s2, s5, $0xb8;
	[tilespmem:$0x4080] =	vst v63  }
.Ltmp1:
0x18b: {  	_ =	swait.ge [sflag:s6], $0x4000;
	(pc) =	sbr.rel @p0 .LBB2_1-.Ltmp1, $4  }
0x18c: {  	[sflag:s6] =	ssyncset.done $0x0  }
0x18d: {  	[sflag:s6] =	ssyncadd.s32 $0xFFFFC000  }
0x18e: {  	[hbm4b:s31+s2] =	stream.linear.scatter [tilespmem:s5], [sflag:$0x2], $0x4000, $0x38;
	[tilespmem:$0x4080] =	vst v63  }
0x18f: {  	s1 =	sadd.s32 $0xFFFFFFFF, s1;
	_ =	swait.ge [sflag:s3], $0x4000  }
.LBB2_2:
0x190: {  	[sflag:s3] =	ssyncset.done $0x0  }
0x191: {  	[sflag:s3] =	ssyncadd.s32 $0xFFFFC000  }
0x192: {  	_ =	sfence.sel $0x180000  }
0x193: {  	[bflag:$0x0] =	sbarrier.arrive $0xFFFF  }
0x194: {  	_ =	strace $0x90000047  }
0x195: {  	s0 =	stileid.u32;
	[bflag:$0x2] =	sbarrier.arrive $0xFFFF  }
0x196: {  	p0 =	sne.s32 s0, $0x0;
	s0 =	rddreg [dreg:$0x2]  }
0x197: {  	s0 =	sadd.s32 @!p0 $0x100000, s0  }
0x198: {  	[sflag:s0] =	ssyncadd.tile.s32 @!p0 $0x1;
	_ =	shalt  }
.Lfunc_end2:
_tile_overlayer_lowered:
.L_overlay_start_2:
0x199: {  	(tag) =	ssettag $0x2  }
0x19a: {  	s0 =	rddreg [dreg:$0x0];
	s2 =	stileid.u32  }
0x19b: {  	s1 =	rddreg [dreg:$0x1];
	p0 =	sne.s32 s2, $0x0  }
0x19c: {  	s3 =	rddreg [dreg:$0x2];
	[bflag:$0x3] =	sbarrier.arrive $0xFFFF;
	s2 =	simm.s32 @!p0 $0x1C02  }
0x19d: {  	[timem:s3], [sflag:s2] =	dma.local @!p0 [hbm:s0], s1  }
0x19e: {  	s0 =	simm.s32 @!p0 $0x2  }
0x19f: {  	_ =	swait.ge @!p0 [sflag:s0], s1  }
0x1a0: {  	s1 =	ssub.s32 @!p0 $0x0, s1;
	[sflag:s0] =	ssyncset.done @!p0 $0x0  }
0x1a1: {  	[sflag:s0] =	ssyncadd.s32 @!p0 s1  }
0x1a2: {  	[bflag:$0x3] =	sbarrier.arrive $0xFFFF  }
0x1a3: {  	_ =	shalt  }

</sc_bundles>
